<compile_context>
chip_gen: v7x
topology: tpu7x:2x2x1
jax: 0.10.2.dev20260603
libtpu: 0.0.44.dev20260713+nightly
codegen_flags: <defaults>
</compile_context>

<pallas_src>
import functools

import jax
import jax.numpy as jnp
from jax import lax
from jax.experimental import pallas as pl
from jax.experimental.pallas import tpu as pltpu
from jax.experimental.pallas import tpu_sc as plsc

_CHUNKS = 8
_PER_W = 8


def _sc_gather_rows(adj_flat, w_flat, idx_flat, Bsz, N):
    mesh = plsc.VectorSubcoreMesh(core_axis_name="c", subcore_axis_name="s")
    n_groups = Bsz // _PER_W

    @functools.partial(
        pl.kernel,
        out_type=jax.ShapeDtypeStruct((2 * Bsz, N), jnp.float32),
        mesh=mesh,
        scratch_types=[
            pltpu.VMEM((_PER_W,), jnp.int32),
            pltpu.VMEM((_PER_W, N), jnp.float32),
            pltpu.SemaphoreType.DMA,
        ],
    )
    def gather_k(adj_hbm, w_hbm, idx_hbm, out_hbm, idx_v, rows_v, sem):
        wid = lax.axis_index("s") * 2 + lax.axis_index("c")

        @pl.when(wid < n_groups)
        def _():
            base = _PER_W * wid
            pltpu.sync_copy(idx_hbm.at[pl.ds(base, _PER_W)], idx_v)
            pltpu.async_copy(adj_hbm.at[idx_v], rows_v, sem).wait()
            pltpu.sync_copy(rows_v, out_hbm.at[pl.ds(base, _PER_W)])

        @pl.when((wid >= n_groups) & (wid < 2 * n_groups))
        def _():
            base = _PER_W * wid - Bsz
            pltpu.sync_copy(idx_hbm.at[pl.ds(base, _PER_W)], idx_v)
            pltpu.async_copy(w_hbm.at[idx_v], rows_v, sem).wait()
            pltpu.sync_copy(rows_v, out_hbm.at[pl.ds(Bsz + base, _PER_W)])

    return gather_k(adj_flat, w_flat, idx_flat)


def _gcm_kernel(nn_ref, x_ref, W_ref, rows_ref, nodes_hbm,
                mx_ref, out_hbm, buf, in_sems, out_sems):
    Bsz, F = x_ref.shape
    rows_c = buf.shape[1]
    N = rows_ref.shape[1]
    per = Bsz // _CHUNKS

    for c in range(_CHUNKS):
        pltpu.make_async_copy(nodes_hbm.at[pl.ds(c * rows_c, rows_c)],
                              buf.at[c], in_sems.at[c]).start()

    row_ids = jax.lax.broadcasted_iota(jnp.int32, (rows_c, 1), 0)
    for c in range(_CHUNKS):
        pltpu.make_async_copy(nodes_hbm.at[pl.ds(c * rows_c, rows_c)],
                              buf.at[c], in_sems.at[c]).wait()
        blk = buf[c]
        for jj in range(per):
            b = per * c + jj
            blk = jnp.where(row_ids == N * jj + nn_ref[b], x_ref[b], blk)
        buf[c] = blk
        pltpu.make_async_copy(buf.at[c],
                              out_hbm.at[pl.ds(c * rows_c, rows_c)],
                              out_sems.at[c]).start()
        arows = (rows_ref[per * c:per * (c + 1)] *
                 rows_ref[Bsz + per * c:Bsz + per * (c + 1)])
        vs = jnp.concatenate(
            [jnp.dot(arows[jj][None, :], buf[c, N * jj:N * (jj + 1), :],
                     preferred_element_type=jnp.float32)
             for jj in range(per)], axis=0)
        mx_ref[per * c:per * (c + 1)] = jnp.tanh(
            jnp.dot(vs, W_ref[...], preferred_element_type=jnp.float32))

    for c in range(_CHUNKS):
        pltpu.make_async_copy(buf.at[c],
                              out_hbm.at[pl.ds(c * rows_c, rows_c)],
                              out_sems.at[c]).wait()


def kernel(x, nodes, adj, weights, num_nodes, W):
    Bsz, N, F = nodes.shape
    nn = num_nodes.astype(jnp.int32)
    nodes_flat = nodes.reshape(Bsz * N, F)
    rows_c = (Bsz * N) // _CHUNKS

    idx_flat = jnp.arange(Bsz, dtype=jnp.int32) * N + nn
    rows = _sc_gather_rows(adj.reshape(Bsz * N, N),
                           weights.reshape(Bsz * N, N), idx_flat, Bsz, N)

    grid_spec = pltpu.PrefetchScalarGridSpec(
        num_scalar_prefetch=1,
        grid=(1,),
        in_specs=[
            pl.BlockSpec((Bsz, F), lambda i, nn: (0, 0)),
            pl.BlockSpec((F, F), lambda i, nn: (0, 0)),
            pl.BlockSpec((2 * Bsz, N), lambda i, nn: (0, 0)),
            pl.BlockSpec(memory_space=pltpu.MemorySpace.HBM),
        ],
        out_specs=[
            pl.BlockSpec((Bsz, F), lambda i, nn: (0, 0)),
            pl.BlockSpec(memory_space=pltpu.MemorySpace.HBM),
        ],
        scratch_shapes=[
            pltpu.VMEM((_CHUNKS, rows_c, F), jnp.float32),
            pltpu.SemaphoreType.DMA((_CHUNKS,)),
            pltpu.SemaphoreType.DMA((_CHUNKS,)),
        ],
    )

    mx, nodes_new_flat = pl.pallas_call(
        _gcm_kernel,
        grid_spec=grid_spec,
        out_shape=[
            jax.ShapeDtypeStruct((Bsz, F), jnp.float32),
            jax.ShapeDtypeStruct((Bsz * N, F), jnp.float32),
        ],
    )(nn, x, W, rows, nodes_flat)

    return (mx, nodes_new_flat.reshape(Bsz, N, F), adj, weights,
            num_nodes + 1)

# --- scband reference (transcript-rebuilt; emitter-appended) ---
"""Pipeline reference for scband-dense-gcm-7430293422126 (READ-ONLY COPY).

The authoritative reference and input builder live on the scoring server;
editing this copy changes nothing except your own understanding.
"""

import jax, jax.numpy as jnp
import numpy as np

B, N, F = 32, 512, 128

def setup_inputs(seed: int = 0) -> dict:
    key = jax.random.key(seed)
    k1, k2, k3, k4, k5, k6 = jax.random.split(key, 6)
    x = jax.random.normal(k1, (B, F), dtype=jnp.float32)
    nodes = jax.random.normal(k2, (B, N, F), dtype=jnp.float32)
    adj = jax.random.uniform(k3, (B, N, N), dtype=jnp.float32)
    weights = jax.random.uniform(k4, (B, N, N), dtype=jnp.float32)
    num_nodes = jax.random.randint(k5, (B,), 0, 511)
    # learned parameter of the dense GNN layer (gnn module passed to __init__)
    W = jax.random.normal(k6, (F, F), dtype=jnp.float32) * (1.0 / np.sqrt(F))
    return {"x": x, "nodes": nodes, "adj": adj, "weights": weights, "num_nodes": num_nodes, "W": W}

def reference(x, nodes, adj, weights, num_nodes, W):
    Bsz = x.shape[0]
    B_idx = jnp.arange(Bsz)
    # scatter-write memory x into the next free node slot per batch element
    nodes_new = nodes.at[B_idx, num_nodes].set(x)
    # dense GNN: weighted-adjacency message passing + linear + tanh
    A = adj * weights
    agg = jnp.einsum('bij,bjf->bif', A, nodes_new)
    node_feats = jnp.tanh(agg @ W)
    # gather the queried memory row (pooled=False)
    mx = node_feats[B_idx, num_nodes]
    return (mx, nodes_new, adj, weights, num_nodes + 1)

if __name__ == "__main__":
    import jax
    _d = setup_inputs()
    print(jax.jit(kernel)(*tuple(_d.values())))

</pallas_src>

<mosaic_0001>
#map = affine_map<(d0, d1) -> (0, 0)>
#map1 = affine_map<(d0, d1) -> (0)>
module attributes {stable_mosaic.version = 14 : i64} {
  func.func @gather_k(%arg0: i32, %arg1: i32, %arg2: memref<16384x512xf32, #tpu.memory_space<hbm>>, %arg3: memref<16384x512xf32, #tpu.memory_space<hbm>>, %arg4: memref<32xi32, #tpu.memory_space<hbm>>, %arg5: memref<64x512xf32, #tpu.memory_space<hbm>>, %arg6: memref<8xi32, #tpu.memory_space<vmem>>, %arg7: memref<8x512xf32, #tpu.memory_space<vmem>>, %arg8: memref<!tpu.dma_semaphore, #tpu.memory_space<semaphore_mem>>) attributes {dimension_semantics = [#tpu.dimension_semantics<core_parallel>, #tpu.dimension_semantics<subcore_parallel>], iteration_bounds = array<i64: 2, 16>, scalar_prefetch = 0 : i64, scratch_operands = 3 : i64, tpu.core_type = #tpu.core_type<sc_vector_subcore>, window_params = [{transform_indices = #map}, {transform_indices = #map}, {transform_indices = #map1}, {transform_indices = #map}]} {
    %mul3A = arith.constant 2 : i32
    %mul3A_0 = arith.muli %arg1, %mul3A : i32
    %add3A = arith.addi %mul3A_0, %arg0 : i32
    %lt3A = arith.constant 4 : i32
    %lt3A_1 = arith.cmpi slt, %add3A, %lt3A : i32
    %convert_element_type3A = arith.extui %lt3A_1 : i1 to i32
    %cond3A = arith.constant 0 : i32
    %cond3A_2 = arith.cmpi ne, %convert_element_type3A, %cond3A : i32
    scf.if %cond3A_2 {
      %mul3A_9 = arith.constant 8 : i32
      %mul3A_10 = arith.muli %mul3A_9, %add3A : i32
      "tpu.region"() ({
        %run_scoped3A = tpu.sem_alloc : memref<!tpu.dma_semaphore, #tpu.memory_space<semaphore_mem>>
        %dma_start3A_15 = tpu.memref_slice %arg4[%mul3A_10] : memref<32xi32, #tpu.memory_space<hbm>> -> memref<8xi32, #tpu.memory_space<hbm>>
        %dma_start3A_16 = tpu.memref_slice %arg4[%mul3A_10] : memref<32xi32, #tpu.memory_space<hbm>> -> memref<8xi32, #tpu.memory_space<hbm>>
        tpu.enqueue_dma source(%dma_start3A_16 : memref<8xi32, #tpu.memory_space<hbm>>) target(%arg6 : memref<8xi32, #tpu.memory_space<vmem>>) target_semaphore(%run_scoped3A : memref<!tpu.dma_semaphore, #tpu.memory_space<semaphore_mem>>)
        %dma_wait3A_17 = tpu.memref_slice %arg4[%mul3A_10] : memref<32xi32, #tpu.memory_space<hbm>> -> memref<8xi32, #tpu.memory_space<hbm>>
        %dma_wait3A_18 = tpu.memref_slice %arg4[%mul3A_10] : memref<32xi32, #tpu.memory_space<hbm>> -> memref<8xi32, #tpu.memory_space<hbm>>
        tpu.wait_dma2 semaphore(%run_scoped3A : memref<!tpu.dma_semaphore, #tpu.memory_space<semaphore_mem>>) src(%dma_wait3A_18 : memref<8xi32, #tpu.memory_space<hbm>>) dst(%arg6 : memref<8xi32, #tpu.memory_space<vmem>>)
        tpu.yield
      }) : () -> ()
      %dma_start3A = arith.constant 0 : i32
      %dma_start3A_11 = arith.constant 0 : i32
      %dma_start3A_12 = tpu.memref_slice %arg2[%dma_start3A, %dma_start3A_11] : memref<16384x512xf32, #tpu.memory_space<hbm>> -> memref<16384x512xf32, #tpu.memory_space<hbm>>
      tpu.enqueue_indirect_dma source(%dma_start3A_12 : memref<16384x512xf32, #tpu.memory_space<hbm>>) target(%arg7 : memref<8x512xf32, #tpu.memory_space<vmem>>) offsets(%arg6 : memref<8xi32, #tpu.memory_space<vmem>>) semaphore(%arg8 : memref<!tpu.dma_semaphore, #tpu.memory_space<semaphore_mem>>)
      %dma_wait3A = arith.constant 0 : i32
      %dma_wait3A_13 = arith.constant 0 : i32
      %dma_wait3A_14 = tpu.memref_slice %arg2[%dma_wait3A, %dma_wait3A_13] : memref<16384x512xf32, #tpu.memory_space<hbm>> -> memref<16384x512xf32, #tpu.memory_space<hbm>>
      tpu.wait_indirect_dma semaphore(%arg8 : memref<!tpu.dma_semaphore, #tpu.memory_space<semaphore_mem>>) src(%dma_wait3A_14 : memref<16384x512xf32, #tpu.memory_space<hbm>>) dst(%arg7 : memref<8x512xf32, #tpu.memory_space<vmem>>)
      "tpu.region"() ({
        %run_scoped3A = tpu.sem_alloc : memref<!tpu.dma_semaphore, #tpu.memory_space<semaphore_mem>>
        %dma_start3A_15 = arith.constant 0 : i32
        %dma_start3A_16 = tpu.memref_slice %arg5[%mul3A_10, %dma_start3A_15] : memref<64x512xf32, #tpu.memory_space<hbm>> -> memref<8x512xf32, #tpu.memory_space<hbm>>
        %dma_start3A_17 = arith.constant 0 : i32
        %dma_start3A_18 = tpu.memref_slice %arg5[%mul3A_10, %dma_start3A_17] : memref<64x512xf32, #tpu.memory_space<hbm>> -> memref<8x512xf32, #tpu.memory_space<hbm>>
        tpu.enqueue_dma source(%arg7 : memref<8x512xf32, #tpu.memory_space<vmem>>) target(%dma_start3A_18 : memref<8x512xf32, #tpu.memory_space<hbm>>) target_semaphore(%run_scoped3A : memref<!tpu.dma_semaphore, #tpu.memory_space<semaphore_mem>>)
        %dma_wait3A_19 = arith.constant 0 : i32
        %dma_wait3A_20 = tpu.memref_slice %arg5[%mul3A_10, %dma_wait3A_19] : memref<64x512xf32, #tpu.memory_space<hbm>> -> memref<8x512xf32, #tpu.memory_space<hbm>>
        %dma_wait3A_21 = arith.constant 0 : i32
        %dma_wait3A_22 = tpu.memref_slice %arg5[%mul3A_10, %dma_wait3A_21] : memref<64x512xf32, #tpu.memory_space<hbm>> -> memref<8x512xf32, #tpu.memory_space<hbm>>
        tpu.wait_dma2 semaphore(%run_scoped3A : memref<!tpu.dma_semaphore, #tpu.memory_space<semaphore_mem>>) src(%arg7 : memref<8x512xf32, #tpu.memory_space<vmem>>) dst(%dma_wait3A_22 : memref<8x512xf32, #tpu.memory_space<hbm>>)
        tpu.yield
      }) : () -> ()
    } else {
    }
    %ge3A = arith.constant 4 : i32
    %ge3A_3 = arith.cmpi sge, %add3A, %ge3A : i32
    %lt3A_4 = arith.constant 8 : i32
    %lt3A_5 = arith.cmpi slt, %add3A, %lt3A_4 : i32
    %and3A = arith.andi %ge3A_3, %lt3A_5 : i1
    %convert_element_type3A_6 = arith.extui %and3A : i1 to i32
    %cond3A_7 = arith.constant 0 : i32
    %cond3A_8 = arith.cmpi ne, %convert_element_type3A_6, %cond3A_7 : i32
    scf.if %cond3A_8 {
      %mul3A_9 = arith.constant 8 : i32
      %mul3A_10 = arith.muli %mul3A_9, %add3A : i32
      %sub3A = arith.constant 32 : i32
      %sub3A_11 = arith.subi %mul3A_10, %sub3A : i32
      "tpu.region"() ({
        %run_scoped3A = tpu.sem_alloc : memref<!tpu.dma_semaphore, #tpu.memory_space<semaphore_mem>>
        %dma_start3A_18 = tpu.memref_slice %arg4[%sub3A_11] : memref<32xi32, #tpu.memory_space<hbm>> -> memref<8xi32, #tpu.memory_space<hbm>>
        %dma_start3A_19 = tpu.memref_slice %arg4[%sub3A_11] : memref<32xi32, #tpu.memory_space<hbm>> -> memref<8xi32, #tpu.memory_space<hbm>>
        tpu.enqueue_dma source(%dma_start3A_19 : memref<8xi32, #tpu.memory_space<hbm>>) target(%arg6 : memref<8xi32, #tpu.memory_space<vmem>>) target_semaphore(%run_scoped3A : memref<!tpu.dma_semaphore, #tpu.memory_space<semaphore_mem>>)
        %dma_wait3A_20 = tpu.memref_slice %arg4[%sub3A_11] : memref<32xi32, #tpu.memory_space<hbm>> -> memref<8xi32, #tpu.memory_space<hbm>>
        %dma_wait3A_21 = tpu.memref_slice %arg4[%sub3A_11] : memref<32xi32, #tpu.memory_space<hbm>> -> memref<8xi32, #tpu.memory_space<hbm>>
        tpu.wait_dma2 semaphore(%run_scoped3A : memref<!tpu.dma_semaphore, #tpu.memory_space<semaphore_mem>>) src(%dma_wait3A_21 : memref<8xi32, #tpu.memory_space<hbm>>) dst(%arg6 : memref<8xi32, #tpu.memory_space<vmem>>)
        tpu.yield
      }) : () -> ()
      %dma_start3A = arith.constant 0 : i32
      %dma_start3A_12 = arith.constant 0 : i32
      %dma_start3A_13 = tpu.memref_slice %arg3[%dma_start3A, %dma_start3A_12] : memref<16384x512xf32, #tpu.memory_space<hbm>> -> memref<16384x512xf32, #tpu.memory_space<hbm>>
      tpu.enqueue_indirect_dma source(%dma_start3A_13 : memref<16384x512xf32, #tpu.memory_space<hbm>>) target(%arg7 : memref<8x512xf32, #tpu.memory_space<vmem>>) offsets(%arg6 : memref<8xi32, #tpu.memory_space<vmem>>) semaphore(%arg8 : memref<!tpu.dma_semaphore, #tpu.memory_space<semaphore_mem>>)
      %dma_wait3A = arith.constant 0 : i32
      %dma_wait3A_14 = arith.constant 0 : i32
      %dma_wait3A_15 = tpu.memref_slice %arg3[%dma_wait3A, %dma_wait3A_14] : memref<16384x512xf32, #tpu.memory_space<hbm>> -> memref<16384x512xf32, #tpu.memory_space<hbm>>
      tpu.wait_indirect_dma semaphore(%arg8 : memref<!tpu.dma_semaphore, #tpu.memory_space<semaphore_mem>>) src(%dma_wait3A_15 : memref<16384x512xf32, #tpu.memory_space<hbm>>) dst(%arg7 : memref<8x512xf32, #tpu.memory_space<vmem>>)
      %add3A_16 = arith.constant 32 : i32
      %add3A_17 = arith.addi %add3A_16, %sub3A_11 : i32
      "tpu.region"() ({
        %run_scoped3A = tpu.sem_alloc : memref<!tpu.dma_semaphore, #tpu.memory_space<semaphore_mem>>
        %dma_start3A_18 = arith.constant 0 : i32
        %dma_start3A_19 = tpu.memref_slice %arg5[%add3A_17, %dma_start3A_18] : memref<64x512xf32, #tpu.memory_space<hbm>> -> memref<8x512xf32, #tpu.memory_space<hbm>>
        %dma_start3A_20 = arith.constant 0 : i32
        %dma_start3A_21 = tpu.memref_slice %arg5[%add3A_17, %dma_start3A_20] : memref<64x512xf32, #tpu.memory_space<hbm>> -> memref<8x512xf32, #tpu.memory_space<hbm>>
        tpu.enqueue_dma source(%arg7 : memref<8x512xf32, #tpu.memory_space<vmem>>) target(%dma_start3A_21 : memref<8x512xf32, #tpu.memory_space<hbm>>) target_semaphore(%run_scoped3A : memref<!tpu.dma_semaphore, #tpu.memory_space<semaphore_mem>>)
        %dma_wait3A_22 = arith.constant 0 : i32
        %dma_wait3A_23 = tpu.memref_slice %arg5[%add3A_17, %dma_wait3A_22] : memref<64x512xf32, #tpu.memory_space<hbm>> -> memref<8x512xf32, #tpu.memory_space<hbm>>
        %dma_wait3A_24 = arith.constant 0 : i32
        %dma_wait3A_25 = tpu.memref_slice %arg5[%add3A_17, %dma_wait3A_24] : memref<64x512xf32, #tpu.memory_space<hbm>> -> memref<8x512xf32, #tpu.memory_space<hbm>>
        tpu.wait_dma2 semaphore(%run_scoped3A : memref<!tpu.dma_semaphore, #tpu.memory_space<semaphore_mem>>) src(%arg7 : memref<8x512xf32, #tpu.memory_space<vmem>>) dst(%dma_wait3A_25 : memref<8x512xf32, #tpu.memory_space<hbm>>)
        tpu.yield
      }) : () -> ()
    } else {
    }
    return
  }
}

module attributes {stable_mosaic.version = 14 : i64} {
  func.func @_gcm_kernel(%arg0: i32, %arg1: memref<32xi32, #tpu.memory_space<smem>>, %arg2: memref<32x128xf32, #tpu.memory_space<vmem>>, %arg3: memref<128x128xf32, #tpu.memory_space<vmem>>, %arg4: memref<64x512xf32, #tpu.memory_space<vmem>>, %arg5: memref<16384x128xf32, #tpu.memory_space<hbm>>, %arg6: memref<32x128xf32, #tpu.memory_space<vmem>>, %arg7: memref<16384x128xf32, #tpu.memory_space<hbm>>, %arg8: memref<8x2048x128xf32, #tpu.memory_space<vmem>>, %arg9: memref<8x!tpu.dma_semaphore, #tpu.memory_space<semaphore_mem>>, %arg10: memref<8x!tpu.dma_semaphore, #tpu.memory_space<semaphore_mem>>) attributes {dimension_semantics = [#tpu.dimension_semantics<arbitrary>], iteration_bounds = array<i64: 1>, scalar_prefetch = 1 : i64, scratch_operands = 3 : i64, tpu.core_type = #tpu.core_type<tc>, window_params = [{pipeline_mode = #tpu.pipeline_mode<synchronous>, transform_indices = @transform_0, window_bounds = array<i64: 32, 128>}, {pipeline_mode = #tpu.pipeline_mode<synchronous>, transform_indices = @transform_1, window_bounds = array<i64: 128, 128>}, {pipeline_mode = #tpu.pipeline_mode<synchronous>, transform_indices = @transform_2, window_bounds = array<i64: 64, 512>}, {}, {pipeline_mode = #tpu.pipeline_mode<synchronous>, transform_indices = @transform_4, window_bounds = array<i64: 32, 128>}, {}]} {
    %dma_start3A = arith.constant 0 : i32
    %dma_start3A_0 = arith.constant 0 : i32
    %dma_start3A_1 = tpu.memref_slice %arg9[%dma_start3A_0] : memref<8x!tpu.dma_semaphore, #tpu.memory_space<semaphore_mem>> -> memref<1x!tpu.dma_semaphore, #tpu.memory_space<semaphore_mem>>
    %dma_start3A_2 = tpu.memref_squeeze %dma_start3A_1 : memref<1x!tpu.dma_semaphore, #tpu.memory_space<semaphore_mem>> -> memref<!tpu.dma_semaphore, #tpu.memory_space<semaphore_mem>>
    %dma_start3A_3 = arith.constant 0 : i32
    %dma_start3A_4 = arith.constant 0 : i32
    %dma_start3A_5 = tpu.memref_slice %arg8[%dma_start3A, %dma_start3A_3, %dma_start3A_4] : memref<8x2048x128xf32, #tpu.memory_space<vmem>> -> memref<1x2048x128xf32, #tpu.memory_space<vmem>>
    %dma_start3A_6 = tpu.memref_squeeze %dma_start3A_5 : memref<1x2048x128xf32, #tpu.memory_space<vmem>> -> memref<2048x128xf32, #tpu.memory_space<vmem>>
    %dma_start3A_7 = arith.constant 0 : i32
    %dma_start3A_8 = arith.constant 0 : i32
    %dma_start3A_9 = tpu.memref_slice %arg5[%dma_start3A_7, %dma_start3A_8] : memref<16384x128xf32, #tpu.memory_space<hbm>> -> memref<2048x128xf32, #tpu.memory_space<hbm>>
    tpu.enqueue_dma source(%dma_start3A_9 : memref<2048x128xf32, #tpu.memory_space<hbm>>) target(%dma_start3A_6 : memref<2048x128xf32, #tpu.memory_space<vmem>>) target_semaphore(%dma_start3A_2 : memref<!tpu.dma_semaphore, #tpu.memory_space<semaphore_mem>>)
    %dma_start3A_10 = arith.constant 1 : i32
    %dma_start3A_11 = arith.constant 1 : i32
    %dma_start3A_12 = tpu.memref_slice %arg9[%dma_start3A_11] : memref<8x!tpu.dma_semaphore, #tpu.memory_space<semaphore_mem>> -> memref<1x!tpu.dma_semaphore, #tpu.memory_space<semaphore_mem>>
    %dma_start3A_13 = tpu.memref_squeeze %dma_start3A_12 : memref<1x!tpu.dma_semaphore, #tpu.memory_space<semaphore_mem>> -> memref<!tpu.dma_semaphore, #tpu.memory_space<semaphore_mem>>
    %dma_start3A_14 = arith.constant 0 : i32
    %dma_start3A_15 = arith.constant 0 : i32
    %dma_start3A_16 = tpu.memref_slice %arg8[%dma_start3A_10, %dma_start3A_14, %dma_start3A_15] : memref<8x2048x128xf32, #tpu.memory_space<vmem>> -> memref<1x2048x128xf32, #tpu.memory_space<vmem>>
    %dma_start3A_17 = tpu.memref_squeeze %dma_start3A_16 : memref<1x2048x128xf32, #tpu.memory_space<vmem>> -> memref<2048x128xf32, #tpu.memory_space<vmem>>
    %dma_start3A_18 = arith.constant 2048 : i32
    %dma_start3A_19 = arith.constant 0 : i32
    %dma_start3A_20 = tpu.memref_slice %arg5[%dma_start3A_18, %dma_start3A_19] : memref<16384x128xf32, #tpu.memory_space<hbm>> -> memref<2048x128xf32, #tpu.memory_space<hbm>>
    tpu.enqueue_dma source(%dma_start3A_20 : memref<2048x128xf32, #tpu.memory_space<hbm>>) target(%dma_start3A_17 : memref<2048x128xf32, #tpu.memory_space<vmem>>) target_semaphore(%dma_start3A_13 : memref<!tpu.dma_semaphore, #tpu.memory_space<semaphore_mem>>)
    %dma_start3A_21 = arith.constant 2 : i32
    %dma_start3A_22 = arith.constant 2 : i32
    %dma_start3A_23 = tpu.memref_slice %arg9[%dma_start3A_22] : memref<8x!tpu.dma_semaphore, #tpu.memory_space<semaphore_mem>> -> memref<1x!tpu.dma_semaphore, #tpu.memory_space<semaphore_mem>>
    %dma_start3A_24 = tpu.memref_squeeze %dma_start3A_23 : memref<1x!tpu.dma_semaphore, #tpu.memory_space<semaphore_mem>> -> memref<!tpu.dma_semaphore, #tpu.memory_space<semaphore_mem>>
    %dma_start3A_25 = arith.constant 0 : i32
    %dma_start3A_26 = arith.constant 0 : i32
    %dma_start3A_27 = tpu.memref_slice %arg8[%dma_start3A_21, %dma_start3A_25, %dma_start3A_26] : memref<8x2048x128xf32, #tpu.memory_space<vmem>> -> memref<1x2048x128xf32, #tpu.memory_space<vmem>>
    %dma_start3A_28 = tpu.memref_squeeze %dma_start3A_27 : memref<1x2048x128xf32, #tpu.memory_space<vmem>> -> memref<2048x128xf32, #tpu.memory_space<vmem>>
    %dma_start3A_29 = arith.constant 4096 : i32
    %dma_start3A_30 = arith.constant 0 : i32
    %dma_start3A_31 = tpu.memref_slice %arg5[%dma_start3A_29, %dma_start3A_30] : memref<16384x128xf32, #tpu.memory_space<hbm>> -> memref<2048x128xf32, #tpu.memory_space<hbm>>
    tpu.enqueue_dma source(%dma_start3A_31 : memref<2048x128xf32, #tpu.memory_space<hbm>>) target(%dma_start3A_28 : memref<2048x128xf32, #tpu.memory_space<vmem>>) target_semaphore(%dma_start3A_24 : memref<!tpu.dma_semaphore, #tpu.memory_space<semaphore_mem>>)
    %dma_start3A_32 = arith.constant 3 : i32
    %dma_start3A_33 = arith.constant 3 : i32
    %dma_start3A_34 = tpu.memref_slice %arg9[%dma_start3A_33] : memref<8x!tpu.dma_semaphore, #tpu.memory_space<semaphore_mem>> -> memref<1x!tpu.dma_semaphore, #tpu.memory_space<semaphore_mem>>
    %dma_start3A_35 = tpu.memref_squeeze %dma_start3A_34 : memref<1x!tpu.dma_semaphore, #tpu.memory_space<semaphore_mem>> -> memref<!tpu.dma_semaphore, #tpu.memory_space<semaphore_mem>>
    %dma_start3A_36 = arith.constant 0 : i32
    %dma_start3A_37 = arith.constant 0 : i32
    %dma_start3A_38 = tpu.memref_slice %arg8[%dma_start3A_32, %dma_start3A_36, %dma_start3A_37] : memref<8x2048x128xf32, #tpu.memory_space<vmem>> -> memref<1x2048x128xf32, #tpu.memory_space<vmem>>
    %dma_start3A_39 = tpu.memref_squeeze %dma_start3A_38 : memref<1x2048x128xf32, #tpu.memory_space<vmem>> -> memref<2048x128xf32, #tpu.memory_space<vmem>>
    %dma_start3A_40 = arith.constant 6144 : i32
    %dma_start3A_41 = arith.constant 0 : i32
    %dma_start3A_42 = tpu.memref_slice %arg5[%dma_start3A_40, %dma_start3A_41] : memref<16384x128xf32, #tpu.memory_space<hbm>> -> memref<2048x128xf32, #tpu.memory_space<hbm>>
    tpu.enqueue_dma source(%dma_start3A_42 : memref<2048x128xf32, #tpu.memory_space<hbm>>) target(%dma_start3A_39 : memref<2048x128xf32, #tpu.memory_space<vmem>>) target_semaphore(%dma_start3A_35 : memref<!tpu.dma_semaphore, #tpu.memory_space<semaphore_mem>>)
    %dma_start3A_43 = arith.constant 4 : i32
    %dma_start3A_44 = arith.constant 4 : i32
    %dma_start3A_45 = tpu.memref_slice %arg9[%dma_start3A_44] : memref<8x!tpu.dma_semaphore, #tpu.memory_space<semaphore_mem>> -> memref<1x!tpu.dma_semaphore, #tpu.memory_space<semaphore_mem>>
    %dma_start3A_46 = tpu.memref_squeeze %dma_start3A_45 : memref<1x!tpu.dma_semaphore, #tpu.memory_space<semaphore_mem>> -> memref<!tpu.dma_semaphore, #tpu.memory_space<semaphore_mem>>
    %dma_start3A_47 = arith.constant 0 : i32
    %dma_start3A_48 = arith.constant 0 : i32
    %dma_start3A_49 = tpu.memref_slice %arg8[%dma_start3A_43, %dma_start3A_47, %dma_start3A_48] : memref<8x2048x128xf32, #tpu.memory_space<vmem>> -> memref<1x2048x128xf32, #tpu.memory_space<vmem>>
    %dma_start3A_50 = tpu.memref_squeeze %dma_start3A_49 : memref<1x2048x128xf32, #tpu.memory_space<vmem>> -> memref<2048x128xf32, #tpu.memory_space<vmem>>
    %dma_start3A_51 = arith.constant 8192 : i32
    %dma_start3A_52 = arith.constant 0 : i32
    %dma_start3A_53 = tpu.memref_slice %arg5[%dma_start3A_51, %dma_start3A_52] : memref<16384x128xf32, #tpu.memory_space<hbm>> -> memref<2048x128xf32, #tpu.memory_space<hbm>>
    tpu.enqueue_dma source(%dma_start3A_53 : memref<2048x128xf32, #tpu.memory_space<hbm>>) target(%dma_start3A_50 : memref<2048x128xf32, #tpu.memory_space<vmem>>) target_semaphore(%dma_start3A_46 : memref<!tpu.dma_semaphore, #tpu.memory_space<semaphore_mem>>)
    %dma_start3A_54 = arith.constant 5 : i32
    %dma_start3A_55 = arith.constant 5 : i32
    %dma_start3A_56 = tpu.memref_slice %arg9[%dma_start3A_55] : memref<8x!tpu.dma_semaphore, #tpu.memory_space<semaphore_mem>> -> memref<1x!tpu.dma_semaphore, #tpu.memory_space<semaphore_mem>>
    %dma_start3A_57 = tpu.memref_squeeze %dma_start3A_56 : memref<1x!tpu.dma_semaphore, #tpu.memory_space<semaphore_mem>> -> memref<!tpu.dma_semaphore, #tpu.memory_space<semaphore_mem>>
    %dma_start3A_58 = arith.constant 0 : i32
    %dma_start3A_59 = arith.constant 0 : i32
    %dma_start3A_60 = tpu.memref_slice %arg8[%dma_start3A_54, %dma_start3A_58, %dma_start3A_59] : memref<8x2048x128xf32, #tpu.memory_space<vmem>> -> memref<1x2048x128xf32, #tpu.memory_space<vmem>>
    %dma_start3A_61 = tpu.memref_squeeze %dma_start3A_60 : memref<1x2048x128xf32, #tpu.memory_space<vmem>> -> memref<2048x128xf32, #tpu.memory_space<vmem>>
    %dma_start3A_62 = arith.constant 10240 : i32
    %dma_start3A_63 = arith.constant 0 : i32
    %dma_start3A_64 = tpu.memref_slice %arg5[%dma_start3A_62, %dma_start3A_63] : memref<16384x128xf32, #tpu.memory_space<hbm>> -> memref<2048x128xf32, #tpu.memory_space<hbm>>
    tpu.enqueue_dma source(%dma_start3A_64 : memref<2048x128xf32, #tpu.memory_space<hbm>>) target(%dma_start3A_61 : memref<2048x128xf32, #tpu.memory_space<vmem>>) target_semaphore(%dma_start3A_57 : memref<!tpu.dma_semaphore, #tpu.memory_space<semaphore_mem>>)
    %dma_start3A_65 = arith.constant 6 : i32
    %dma_start3A_66 = arith.constant 6 : i32
    %dma_start3A_67 = tpu.memref_slice %arg9[%dma_start3A_66] : memref<8x!tpu.dma_semaphore, #tpu.memory_space<semaphore_mem>> -> memref<1x!tpu.dma_semaphore, #tpu.memory_space<semaphore_mem>>
    %dma_start3A_68 = tpu.memref_squeeze %dma_start3A_67 : memref<1x!tpu.dma_semaphore, #tpu.memory_space<semaphore_mem>> -> memref<!tpu.dma_semaphore, #tpu.memory_space<semaphore_mem>>
    %dma_start3A_69 = arith.constant 0 : i32
    %dma_start3A_70 = arith.constant 0 : i32
    %dma_start3A_71 = tpu.memref_slice %arg8[%dma_start3A_65, %dma_start3A_69, %dma_start3A_70] : memref<8x2048x128xf32, #tpu.memory_space<vmem>> -> memref<1x2048x128xf32, #tpu.memory_space<vmem>>
    %dma_start3A_72 = tpu.memref_squeeze %dma_start3A_71 : memref<1x2048x128xf32, #tpu.memory_space<vmem>> -> memref<2048x128xf32, #tpu.memory_space<vmem>>
    %dma_start3A_73 = arith.constant 12288 : i32
    %dma_start3A_74 = arith.constant 0 : i32
    %dma_start3A_75 = tpu.memref_slice %arg5[%dma_start3A_73, %dma_start3A_74] : memref<16384x128xf32, #tpu.memory_space<hbm>> -> memref<2048x128xf32, #tpu.memory_space<hbm>>
    tpu.enqueue_dma source(%dma_start3A_75 : memref<2048x128xf32, #tpu.memory_space<hbm>>) target(%dma_start3A_72 : memref<2048x128xf32, #tpu.memory_space<vmem>>) target_semaphore(%dma_start3A_68 : memref<!tpu.dma_semaphore, #tpu.memory_space<semaphore_mem>>)
    %dma_start3A_76 = arith.constant 7 : i32
    %dma_start3A_77 = arith.constant 7 : i32
    %dma_start3A_78 = tpu.memref_slice %arg9[%dma_start3A_77] : memref<8x!tpu.dma_semaphore, #tpu.memory_space<semaphore_mem>> -> memref<1x!tpu.dma_semaphore, #tpu.memory_space<semaphore_mem>>
    %dma_start3A_79 = tpu.memref_squeeze %dma_start3A_78 : memref<1x!tpu.dma_semaphore, #tpu.memory_space<semaphore_mem>> -> memref<!tpu.dma_semaphore, #tpu.memory_space<semaphore_mem>>
    %dma_start3A_80 = arith.constant 0 : i32
    %dma_start3A_81 = arith.constant 0 : i32
    %dma_start3A_82 = tpu.memref_slice %arg8[%dma_start3A_76, %dma_start3A_80, %dma_start3A_81] : memref<8x2048x128xf32, #tpu.memory_space<vmem>> -> memref<1x2048x128xf32, #tpu.memory_space<vmem>>
    %dma_start3A_83 = tpu.memref_squeeze %dma_start3A_82 : memref<1x2048x128xf32, #tpu.memory_space<vmem>> -> memref<2048x128xf32, #tpu.memory_space<vmem>>
    %dma_start3A_84 = arith.constant 14336 : i32
    %dma_start3A_85 = arith.constant 0 : i32
    %dma_start3A_86 = tpu.memref_slice %arg5[%dma_start3A_84, %dma_start3A_85] : memref<16384x128xf32, #tpu.memory_space<hbm>> -> memref<2048x128xf32, #tpu.memory_space<hbm>>
    tpu.enqueue_dma source(%dma_start3A_86 : memref<2048x128xf32, #tpu.memory_space<hbm>>) target(%dma_start3A_83 : memref<2048x128xf32, #tpu.memory_space<vmem>>) target_semaphore(%dma_start3A_79 : memref<!tpu.dma_semaphore, #tpu.memory_space<semaphore_mem>>)
    %iota3A = tpu.iota {dimensions = array<i32: 0>} : vector<2048x1xi32>
    %dma_wait3A = arith.constant 0 : i32
    %dma_wait3A_87 = arith.constant 0 : i32
    %dma_wait3A_88 = tpu.memref_slice %arg9[%dma_wait3A_87] : memref<8x!tpu.dma_semaphore, #tpu.memory_space<semaphore_mem>> -> memref<1x!tpu.dma_semaphore, #tpu.memory_space<semaphore_mem>>
    %dma_wait3A_89 = tpu.memref_squeeze %dma_wait3A_88 : memref<1x!tpu.dma_semaphore, #tpu.memory_space<semaphore_mem>> -> memref<!tpu.dma_semaphore, #tpu.memory_space<semaphore_mem>>
    %dma_wait3A_90 = arith.constant 0 : i32
    %dma_wait3A_91 = arith.constant 0 : i32
    %dma_wait3A_92 = tpu.memref_slice %arg8[%dma_wait3A, %dma_wait3A_90, %dma_wait3A_91] : memref<8x2048x128xf32, #tpu.memory_space<vmem>> -> memref<1x2048x128xf32, #tpu.memory_space<vmem>>
    %dma_wait3A_93 = tpu.memref_squeeze %dma_wait3A_92 : memref<1x2048x128xf32, #tpu.memory_space<vmem>> -> memref<2048x128xf32, #tpu.memory_space<vmem>>
    %dma_wait3A_94 = arith.constant 0 : i32
    %dma_wait3A_95 = arith.constant 0 : i32
    %dma_wait3A_96 = tpu.memref_slice %arg5[%dma_wait3A_94, %dma_wait3A_95] : memref<16384x128xf32, #tpu.memory_space<hbm>> -> memref<2048x128xf32, #tpu.memory_space<hbm>>
    tpu.wait_dma2 semaphore(%dma_wait3A_89 : memref<!tpu.dma_semaphore, #tpu.memory_space<semaphore_mem>>) src(%dma_wait3A_96 : memref<2048x128xf32, #tpu.memory_space<hbm>>) dst(%dma_wait3A_93 : memref<2048x128xf32, #tpu.memory_space<vmem>>)
    %get3A = arith.constant 0 : index
    %get3A_97 = arith.constant 0 : index
    %get3A_98 = arith.constant 0 : index
    %get3A_99 = vector.load %arg8[%get3A, %get3A_97, %get3A_98] : memref<8x2048x128xf32, #tpu.memory_space<vmem>>, vector<1x2048x128xf32>
    %get3A_100 = vector.shape_cast %get3A_99 : vector<1x2048x128xf32> to vector<2048x128xf32>
    %get3A_101 = arith.constant 0 : index
    %get3A_102 = memref.load %arg1[%get3A_101] : memref<32xi32, #tpu.memory_space<smem>>
    %add3A = arith.constant 0 : i32
    %add3A_103 = arith.addi %add3A, %get3A_102 : i32
    %eq3A = vector.broadcast %add3A_103 : i32 to vector<2048x1xi32>
    %eq3A_104 = arith.cmpi eq, %iota3A, %eq3A : vector<2048x1xi32>
    %get3A_105 = arith.constant 0 : index
    %get3A_106 = arith.constant 0 : index
    %get3A_107 = vector.load %arg2[%get3A_105, %get3A_106] : memref<32x128xf32, #tpu.memory_space<vmem>>, vector<1x128xf32>
    %get3A_108 = vector.shape_cast %get3A_107 : vector<1x128xf32> to vector<128xf32>
    %broadcast_in_dim3A = vector.shape_cast %eq3A_104 : vector<2048x1xi1> to vector<2048x1xi1>
    %broadcast_in_dim3A_109 = vector.broadcast %broadcast_in_dim3A : vector<2048x1xi1> to vector<2048x128xi1>
    %broadcast_in_dim3A_110 = vector.shape_cast %get3A_108 : vector<128xf32> to vector<1x128xf32>
    %broadcast_in_dim3A_111 = vector.broadcast %broadcast_in_dim3A_110 : vector<1x128xf32> to vector<2048x128xf32>
    %select_n3A = arith.select %broadcast_in_dim3A_109, %broadcast_in_dim3A_111, %get3A_100 : vector<2048x128xi1>, vector<2048x128xf32>
    %get3A_112 = arith.constant 1 : index
    %get3A_113 = memref.load %arg1[%get3A_112] : memref<32xi32, #tpu.memory_space<smem>>
    %add3A_114 = arith.constant 512 : i32
    %add3A_115 = arith.addi %add3A_114, %get3A_113 : i32
    %eq3A_116 = vector.broadcast %add3A_115 : i32 to vector<2048x1xi32>
    %eq3A_117 = arith.cmpi eq, %iota3A, %eq3A_116 : vector<2048x1xi32>
    %get3A_118 = arith.constant 1 : index
    %get3A_119 = arith.constant 0 : index
    %get3A_120 = vector.load %arg2[%get3A_118, %get3A_119] : memref<32x128xf32, #tpu.memory_space<vmem>>, vector<1x128xf32>
    %get3A_121 = vector.shape_cast %get3A_120 : vector<1x128xf32> to vector<128xf32>
    %broadcast_in_dim3A_122 = vector.shape_cast %eq3A_117 : vector<2048x1xi1> to vector<2048x1xi1>
    %broadcast_in_dim3A_123 = vector.broadcast %broadcast_in_dim3A_122 : vector<2048x1xi1> to vector<2048x128xi1>
    %broadcast_in_dim3A_124 = vector.shape_cast %get3A_121 : vector<128xf32> to vector<1x128xf32>
    %broadcast_in_dim3A_125 = vector.broadcast %broadcast_in_dim3A_124 : vector<1x128xf32> to vector<2048x128xf32>
    %select_n3A_126 = arith.select %broadcast_in_dim3A_123, %broadcast_in_dim3A_125, %select_n3A : vector<2048x128xi1>, vector<2048x128xf32>
    %get3A_127 = arith.constant 2 : index
    %get3A_128 = memref.load %arg1[%get3A_127] : memref<32xi32, #tpu.memory_space<smem>>
    %add3A_129 = arith.constant 1024 : i32
    %add3A_130 = arith.addi %add3A_129, %get3A_128 : i32
    %eq3A_131 = vector.broadcast %add3A_130 : i32 to vector<2048x1xi32>
    %eq3A_132 = arith.cmpi eq, %iota3A, %eq3A_131 : vector<2048x1xi32>
    %get3A_133 = arith.constant 2 : index
    %get3A_134 = arith.constant 0 : index
    %get3A_135 = vector.load %arg2[%get3A_133, %get3A_134] : memref<32x128xf32, #tpu.memory_space<vmem>>, vector<1x128xf32>
    %get3A_136 = vector.shape_cast %get3A_135 : vector<1x128xf32> to vector<128xf32>
    %broadcast_in_dim3A_137 = vector.shape_cast %eq3A_132 : vector<2048x1xi1> to vector<2048x1xi1>
    %broadcast_in_dim3A_138 = vector.broadcast %broadcast_in_dim3A_137 : vector<2048x1xi1> to vector<2048x128xi1>
    %broadcast_in_dim3A_139 = vector.shape_cast %get3A_136 : vector<128xf32> to vector<1x128xf32>
    %broadcast_in_dim3A_140 = vector.broadcast %broadcast_in_dim3A_139 : vector<1x128xf32> to vector<2048x128xf32>
    %select_n3A_141 = arith.select %broadcast_in_dim3A_138, %broadcast_in_dim3A_140, %select_n3A_126 : vector<2048x128xi1>, vector<2048x128xf32>
    %get3A_142 = arith.constant 3 : index
    %get3A_143 = memref.load %arg1[%get3A_142] : memref<32xi32, #tpu.memory_space<smem>>
    %add3A_144 = arith.constant 1536 : i32
    %add3A_145 = arith.addi %add3A_144, %get3A_143 : i32
    %eq3A_146 = vector.broadcast %add3A_145 : i32 to vector<2048x1xi32>
    %eq3A_147 = arith.cmpi eq, %iota3A, %eq3A_146 : vector<2048x1xi32>
    %get3A_148 = arith.constant 3 : index
    %get3A_149 = arith.constant 0 : index
    %get3A_150 = vector.load %arg2[%get3A_148, %get3A_149] : memref<32x128xf32, #tpu.memory_space<vmem>>, vector<1x128xf32>
    %get3A_151 = vector.shape_cast %get3A_150 : vector<1x128xf32> to vector<128xf32>
    %broadcast_in_dim3A_152 = vector.shape_cast %eq3A_147 : vector<2048x1xi1> to vector<2048x1xi1>
    %broadcast_in_dim3A_153 = vector.broadcast %broadcast_in_dim3A_152 : vector<2048x1xi1> to vector<2048x128xi1>
    %broadcast_in_dim3A_154 = vector.shape_cast %get3A_151 : vector<128xf32> to vector<1x128xf32>
    %broadcast_in_dim3A_155 = vector.broadcast %broadcast_in_dim3A_154 : vector<1x128xf32> to vector<2048x128xf32>
    %select_n3A_156 = arith.select %broadcast_in_dim3A_153, %broadcast_in_dim3A_155, %select_n3A_141 : vector<2048x128xi1>, vector<2048x128xf32>
    %swap3A = arith.constant 0 : index
    %swap3A_157 = arith.constant 0 : index
    %swap3A_158 = arith.constant 0 : index
    %swap3A_159 = vector.load %arg8[%swap3A, %swap3A_157, %swap3A_158] : memref<8x2048x128xf32, #tpu.memory_space<vmem>>, vector<1x2048x128xf32>
    %swap3A_160 = vector.shape_cast %swap3A_159 : vector<1x2048x128xf32> to vector<2048x128xf32>
    %swap3A_161 = vector.shape_cast %select_n3A_156 : vector<2048x128xf32> to vector<1x2048x128xf32>
    tpu.vector_store %arg8[%swap3A, %swap3A_157, %swap3A_158], %swap3A_161 {strides = array<i32>} : memref<8x2048x128xf32, #tpu.memory_space<vmem>>, vector<1x2048x128xf32>,
    %dma_start3A_162 = arith.constant 0 : i32
    %dma_start3A_163 = arith.constant 0 : i32
    %dma_start3A_164 = tpu.memref_slice %arg10[%dma_start3A_163] : memref<8x!tpu.dma_semaphore, #tpu.memory_space<semaphore_mem>> -> memref<1x!tpu.dma_semaphore, #tpu.memory_space<semaphore_mem>>
    %dma_start3A_165 = tpu.memref_squeeze %dma_start3A_164 : memref<1x!tpu.dma_semaphore, #tpu.memory_space<semaphore_mem>> -> memref<!tpu.dma_semaphore, #tpu.memory_space<semaphore_mem>>
    %dma_start3A_166 = arith.constant 0 : i32
    %dma_start3A_167 = arith.constant 0 : i32
    %dma_start3A_168 = tpu.memref_slice %arg7[%dma_start3A_166, %dma_start3A_167] : memref<16384x128xf32, #tpu.memory_space<hbm>> -> memref<2048x128xf32, #tpu.memory_space<hbm>>
    %dma_start3A_169 = arith.constant 0 : i32
    %dma_start3A_170 = arith.constant 0 : i32
    %dma_start3A_171 = tpu.memref_slice %arg8[%dma_start3A_162, %dma_start3A_169, %dma_start3A_170] : memref<8x2048x128xf32, #tpu.memory_space<vmem>> -> memref<1x2048x128xf32, #tpu.memory_space<vmem>>
    %dma_start3A_172 = tpu.memref_squeeze %dma_start3A_171 : memref<1x2048x128xf32, #tpu.memory_space<vmem>> -> memref<2048x128xf32, #tpu.memory_space<vmem>>
    tpu.enqueue_dma source(%dma_start3A_172 : memref<2048x128xf32, #tpu.memory_space<vmem>>) target(%dma_start3A_168 : memref<2048x128xf32, #tpu.memory_space<hbm>>) target_semaphore(%dma_start3A_165 : memref<!tpu.dma_semaphore, #tpu.memory_space<semaphore_mem>>)
    %get3A_173 = arith.constant 0 : index
    %get3A_174 = arith.constant 0 : index
    %get3A_175 = vector.load %arg4[%get3A_173, %get3A_174] : memref<64x512xf32, #tpu.memory_space<vmem>>, vector<4x512xf32>
    %get3A_176 = arith.constant 32 : index
    %get3A_177 = arith.constant 0 : index
    %get3A_178 = vector.load %arg4[%get3A_176, %get3A_177] : memref<64x512xf32, #tpu.memory_space<vmem>>, vector<4x512xf32>
    %mul3A = arith.mulf %get3A_175, %get3A_178 : vector<4x512xf32>
    %slice3A = vector.extract_strided_slice %mul3A {offsets = [0, 0], sizes = [1, 512], strides = [1, 1]} : vector<4x512xf32> to vector<1x512xf32>
    %squeeze3A = vector.shape_cast %slice3A : vector<1x512xf32> to vector<512xf32>
    %broadcast_in_dim3A_179 = vector.shape_cast %squeeze3A : vector<512xf32> to vector<1x512xf32>
    %get3A_180 = arith.constant 0 : index
    %get3A_181 = arith.constant 0 : index
    %get3A_182 = arith.constant 0 : index
    %get3A_183 = vector.load %arg8[%get3A_180, %get3A_181, %get3A_182] : memref<8x2048x128xf32, #tpu.memory_space<vmem>>, vector<1x512x128xf32>
    %get3A_184 = vector.shape_cast %get3A_183 : vector<1x512x128xf32> to vector<512x128xf32>
    %dot_general3A = arith.constant dense<0.000000e+00> : vector<1x128xf32>
    %dot_general3A_185 = tpu.matmul %broadcast_in_dim3A_179, %get3A_184, %dot_general3A {dimension_numbers = #tpu.dot_dimension_numbers<[1], [0], [0], [1], [0, 0, 1, 1], [], []>, transpose_lhs_hint = false} : vector<1x512xf32>, vector<512x128xf32>, vector<1x128xf32> -> vector<1x128xf32>
    %slice3A_186 = vector.extract_strided_slice %mul3A {offsets = [1, 0], sizes = [1, 512], strides = [1, 1]} : vector<4x512xf32> to vector<1x512xf32>
    %squeeze3A_187 = vector.shape_cast %slice3A_186 : vector<1x512xf32> to vector<512xf32>
    %broadcast_in_dim3A_188 = vector.shape_cast %squeeze3A_187 : vector<512xf32> to vector<1x512xf32>
    %get3A_189 = arith.constant 0 : index
    %get3A_190 = arith.constant 512 : index
    %get3A_191 = arith.constant 0 : index
    %get3A_192 = vector.load %arg8[%get3A_189, %get3A_190, %get3A_191] : memref<8x2048x128xf32, #tpu.memory_space<vmem>>, vector<1x512x128xf32>
    %get3A_193 = vector.shape_cast %get3A_192 : vector<1x512x128xf32> to vector<512x128xf32>
    %dot_general3A_194 = arith.constant dense<0.000000e+00> : vector<1x128xf32>
    %dot_general3A_195 = tpu.matmul %broadcast_in_dim3A_188, %get3A_193, %dot_general3A_194 {dimension_numbers = #tpu.dot_dimension_numbers<[1], [0], [0], [1], [0, 0, 1, 1], [], []>, transpose_lhs_hint = false} : vector<1x512xf32>, vector<512x128xf32>, vector<1x128xf32> -> vector<1x128xf32>
    %slice3A_196 = vector.extract_strided_slice %mul3A {offsets = [2, 0], sizes = [1, 512], strides = [1, 1]} : vector<4x512xf32> to vector<1x512xf32>
    %squeeze3A_197 = vector.shape_cast %slice3A_196 : vector<1x512xf32> to vector<512xf32>
    %broadcast_in_dim3A_198 = vector.shape_cast %squeeze3A_197 : vector<512xf32> to vector<1x512xf32>
    %get3A_199 = arith.constant 0 : index
    %get3A_200 = arith.constant 1024 : index
    %get3A_201 = arith.constant 0 : index
    %get3A_202 = vector.load %arg8[%get3A_199, %get3A_200, %get3A_201] : memref<8x2048x128xf32, #tpu.memory_space<vmem>>, vector<1x512x128xf32>
    %get3A_203 = vector.shape_cast %get3A_202 : vector<1x512x128xf32> to vector<512x128xf32>
    %dot_general3A_204 = arith.constant dense<0.000000e+00> : vector<1x128xf32>
    %dot_general3A_205 = tpu.matmul %broadcast_in_dim3A_198, %get3A_203, %dot_general3A_204 {dimension_numbers = #tpu.dot_dimension_numbers<[1], [0], [0], [1], [0, 0, 1, 1], [], []>, transpose_lhs_hint = false} : vector<1x512xf32>, vector<512x128xf32>, vector<1x128xf32> -> vector<1x128xf32>
    %slice3A_206 = vector.extract_strided_slice %mul3A {offsets = [3, 0], sizes = [1, 512], strides = [1, 1]} : vector<4x512xf32> to vector<1x512xf32>
    %squeeze3A_207 = vector.shape_cast %slice3A_206 : vector<1x512xf32> to vector<512xf32>
    %broadcast_in_dim3A_208 = vector.shape_cast %squeeze3A_207 : vector<512xf32> to vector<1x512xf32>
    %get3A_209 = arith.constant 0 : index
    %get3A_210 = arith.constant 1536 : index
    %get3A_211 = arith.constant 0 : index
    %get3A_212 = vector.load %arg8[%get3A_209, %get3A_210, %get3A_211] : memref<8x2048x128xf32, #tpu.memory_space<vmem>>, vector<1x512x128xf32>
    %get3A_213 = vector.shape_cast %get3A_212 : vector<1x512x128xf32> to vector<512x128xf32>
    %dot_general3A_214 = arith.constant dense<0.000000e+00> : vector<1x128xf32>
    %dot_general3A_215 = tpu.matmul %broadcast_in_dim3A_208, %get3A_213, %dot_general3A_214 {dimension_numbers = #tpu.dot_dimension_numbers<[1], [0], [0], [1], [0, 0, 1, 1], [], []>, transpose_lhs_hint = false} : vector<1x512xf32>, vector<512x128xf32>, vector<1x128xf32> -> vector<1x128xf32>
    %concatenate3A = tpu.concatenate %dot_general3A_185, %dot_general3A_195, %dot_general3A_205, %dot_general3A_215 in 0 : vector<1x128xf32>, vector<1x128xf32>, vector<1x128xf32>, vector<1x128xf32> -> vector<4x128xf32>
    %get3A_216 = arith.constant 0 : index
    %get3A_217 = arith.constant 0 : index
    %get3A_218 = vector.load %arg3[%get3A_216, %get3A_217] : memref<128x128xf32, #tpu.memory_space<vmem>>, vector<128x128xf32>
    %dot_general3A_219 = arith.constant dense<0.000000e+00> : vector<4x128xf32>
    %dot_general3A_220 = tpu.matmul %concatenate3A, %get3A_218, %dot_general3A_219 {dimension_numbers = #tpu.dot_dimension_numbers<[1], [0], [0], [1], [0, 0, 1, 1], [], []>, transpose_lhs_hint = false} : vector<4x128xf32>, vector<128x128xf32>, vector<4x128xf32> -> vector<4x128xf32>
    %tanh3A = math.tanh %dot_general3A_220 : vector<4x128xf32>
    %swap3A_221 = arith.constant 0 : index
    %swap3A_222 = arith.constant 0 : index
    %swap3A_223 = vector.load %arg6[%swap3A_221, %swap3A_222] : memref<32x128xf32, #tpu.memory_space<vmem>>, vector<4x128xf32>
    tpu.vector_store %arg6[%swap3A_221, %swap3A_222], %tanh3A {strides = array<i32>} : memref<32x128xf32, #tpu.memory_space<vmem>>, vector<4x128xf32>,
    %dma_wait3A_224 = arith.constant 1 : i32
    %dma_wait3A_225 = arith.constant 1 : i32
    %dma_wait3A_226 = tpu.memref_slice %arg9[%dma_wait3A_225] : memref<8x!tpu.dma_semaphore, #tpu.memory_space<semaphore_mem>> -> memref<1x!tpu.dma_semaphore, #tpu.memory_space<semaphore_mem>>
    %dma_wait3A_227 = tpu.memref_squeeze %dma_wait3A_226 : memref<1x!tpu.dma_semaphore, #tpu.memory_space<semaphore_mem>> -> memref<!tpu.dma_semaphore, #tpu.memory_space<semaphore_mem>>
    %dma_wait3A_228 = arith.constant 0 : i32
    %dma_wait3A_229 = arith.constant 0 : i32
    %dma_wait3A_230 = tpu.memref_slice %arg8[%dma_wait3A_224, %dma_wait3A_228, %dma_wait3A_229] : memref<8x2048x128xf32, #tpu.memory_space<vmem>> -> memref<1x2048x128xf32, #tpu.memory_space<vmem>>
    %dma_wait3A_231 = tpu.memref_squeeze %dma_wait3A_230 : memref<1x2048x128xf32, #tpu.memory_space<vmem>> -> memref<2048x128xf32, #tpu.memory_space<vmem>>
    %dma_wait3A_232 = arith.constant 2048 : i32
    %dma_wait3A_233 = arith.constant 0 : i32
    %dma_wait3A_234 = tpu.memref_slice %arg5[%dma_wait3A_232, %dma_wait3A_233] : memref<16384x128xf32, #tpu.memory_space<hbm>> -> memref<2048x128xf32, #tpu.memory_space<hbm>>
    tpu.wait_dma2 semaphore(%dma_wait3A_227 : memref<!tpu.dma_semaphore, #tpu.memory_space<semaphore_mem>>) src(%dma_wait3A_234 : memref<2048x128xf32, #tpu.memory_space<hbm>>) dst(%dma_wait3A_231 : memref<2048x128xf32, #tpu.memory_space<vmem>>)
    %get3A_235 = arith.constant 1 : index
    %get3A_236 = arith.constant 0 : index
    %get3A_237 = arith.constant 0 : index
    %get3A_238 = vector.load %arg8[%get3A_235, %get3A_236, %get3A_237] : memref<8x2048x128xf32, #tpu.memory_space<vmem>>, vector<1x2048x128xf32>
    %get3A_239 = vector.shape_cast %get3A_238 : vector<1x2048x128xf32> to vector<2048x128xf32>
    %get3A_240 = arith.constant 4 : index
    %get3A_241 = memref.load %arg1[%get3A_240] : memref<32xi32, #tpu.memory_space<smem>>
    %add3A_242 = arith.constant 0 : i32
    %add3A_243 = arith.addi %add3A_242, %get3A_241 : i32
    %eq3A_244 = vector.broadcast %add3A_243 : i32 to vector<2048x1xi32>
    %eq3A_245 = arith.cmpi eq, %iota3A, %eq3A_244 : vector<2048x1xi32>
    %get3A_246 = arith.constant 4 : index
    %get3A_247 = arith.constant 0 : index
    %get3A_248 = vector.load %arg2[%get3A_246, %get3A_247] : memref<32x128xf32, #tpu.memory_space<vmem>>, vector<1x128xf32>
    %get3A_249 = vector.shape_cast %get3A_248 : vector<1x128xf32> to vector<128xf32>
    %broadcast_in_dim3A_250 = vector.shape_cast %eq3A_245 : vector<2048x1xi1> to vector<2048x1xi1>
    %broadcast_in_dim3A_251 = vector.broadcast %broadcast_in_dim3A_250 : vector<2048x1xi1> to vector<2048x128xi1>
    %broadcast_in_dim3A_252 = vector.shape_cast %get3A_249 : vector<128xf32> to vector<1x128xf32>
    %broadcast_in_dim3A_253 = vector.broadcast %broadcast_in_dim3A_252 : vector<1x128xf32> to vector<2048x128xf32>
    %select_n3A_254 = arith.select %broadcast_in_dim3A_251, %broadcast_in_dim3A_253, %get3A_239 : vector<2048x128xi1>, vector<2048x128xf32>
    %get3A_255 = arith.constant 5 : index
    %get3A_256 = memref.load %arg1[%get3A_255] : memref<32xi32, #tpu.memory_space<smem>>
    %add3A_257 = arith.constant 512 : i32
    %add3A_258 = arith.addi %add3A_257, %get3A_256 : i32
    %eq3A_259 = vector.broadcast %add3A_258 : i32 to vector<2048x1xi32>
    %eq3A_260 = arith.cmpi eq, %iota3A, %eq3A_259 : vector<2048x1xi32>
    %get3A_261 = arith.constant 5 : index
    %get3A_262 = arith.constant 0 : index
    %get3A_263 = vector.load %arg2[%get3A_261, %get3A_262] : memref<32x128xf32, #tpu.memory_space<vmem>>, vector<1x128xf32>
    %get3A_264 = vector.shape_cast %get3A_263 : vector<1x128xf32> to vector<128xf32>
    %broadcast_in_dim3A_265 = vector.shape_cast %eq3A_260 : vector<2048x1xi1> to vector<2048x1xi1>
    %broadcast_in_dim3A_266 = vector.broadcast %broadcast_in_dim3A_265 : vector<2048x1xi1> to vector<2048x128xi1>
    %broadcast_in_dim3A_267 = vector.shape_cast %get3A_264 : vector<128xf32> to vector<1x128xf32>
    %broadcast_in_dim3A_268 = vector.broadcast %broadcast_in_dim3A_267 : vector<1x128xf32> to vector<2048x128xf32>
    %select_n3A_269 = arith.select %broadcast_in_dim3A_266, %broadcast_in_dim3A_268, %select_n3A_254 : vector<2048x128xi1>, vector<2048x128xf32>
    %get3A_270 = arith.constant 6 : index
    %get3A_271 = memref.load %arg1[%get3A_270] : memref<32xi32, #tpu.memory_space<smem>>
    %add3A_272 = arith.constant 1024 : i32
    %add3A_273 = arith.addi %add3A_272, %get3A_271 : i32
    %eq3A_274 = vector.broadcast %add3A_273 : i32 to vector<2048x1xi32>
    %eq3A_275 = arith.cmpi eq, %iota3A, %eq3A_274 : vector<2048x1xi32>
    %get3A_276 = arith.constant 6 : index
    %get3A_277 = arith.constant 0 : index
    %get3A_278 = vector.load %arg2[%get3A_276, %get3A_277] : memref<32x128xf32, #tpu.memory_space<vmem>>, vector<1x128xf32>
    %get3A_279 = vector.shape_cast %get3A_278 : vector<1x128xf32> to vector<128xf32>
    %broadcast_in_dim3A_280 = vector.shape_cast %eq3A_275 : vector<2048x1xi1> to vector<2048x1xi1>
    %broadcast_in_dim3A_281 = vector.broadcast %broadcast_in_dim3A_280 : vector<2048x1xi1> to vector<2048x128xi1>
    %broadcast_in_dim3A_282 = vector.shape_cast %get3A_279 : vector<128xf32> to vector<1x128xf32>
    %broadcast_in_dim3A_283 = vector.broadcast %broadcast_in_dim3A_282 : vector<1x128xf32> to vector<2048x128xf32>
    %select_n3A_284 = arith.select %broadcast_in_dim3A_281, %broadcast_in_dim3A_283, %select_n3A_269 : vector<2048x128xi1>, vector<2048x128xf32>
    %get3A_285 = arith.constant 7 : index
    %get3A_286 = memref.load %arg1[%get3A_285] : memref<32xi32, #tpu.memory_space<smem>>
    %add3A_287 = arith.constant 1536 : i32
    %add3A_288 = arith.addi %add3A_287, %get3A_286 : i32
    %eq3A_289 = vector.broadcast %add3A_288 : i32 to vector<2048x1xi32>
    %eq3A_290 = arith.cmpi eq, %iota3A, %eq3A_289 : vector<2048x1xi32>
    %get3A_291 = arith.constant 7 : index
    %get3A_292 = arith.constant 0 : index
    %get3A_293 = vector.load %arg2[%get3A_291, %get3A_292] : memref<32x128xf32, #tpu.memory_space<vmem>>, vector<1x128xf32>
    %get3A_294 = vector.shape_cast %get3A_293 : vector<1x128xf32> to vector<128xf32>
    %broadcast_in_dim3A_295 = vector.shape_cast %eq3A_290 : vector<2048x1xi1> to vector<2048x1xi1>
    %broadcast_in_dim3A_296 = vector.broadcast %broadcast_in_dim3A_295 : vector<2048x1xi1> to vector<2048x128xi1>
    %broadcast_in_dim3A_297 = vector.shape_cast %get3A_294 : vector<128xf32> to vector<1x128xf32>
    %broadcast_in_dim3A_298 = vector.broadcast %broadcast_in_dim3A_297 : vector<1x128xf32> to vector<2048x128xf32>
    %select_n3A_299 = arith.select %broadcast_in_dim3A_296, %broadcast_in_dim3A_298, %select_n3A_284 : vector<2048x128xi1>, vector<2048x128xf32>
    %swap3A_300 = arith.constant 1 : index
    %swap3A_301 = arith.constant 0 : index
    %swap3A_302 = arith.constant 0 : index
    %swap3A_303 = vector.load %arg8[%swap3A_300, %swap3A_301, %swap3A_302] : memref<8x2048x128xf32, #tpu.memory_space<vmem>>, vector<1x2048x128xf32>
    %swap3A_304 = vector.shape_cast %swap3A_303 : vector<1x2048x128xf32> to vector<2048x128xf32>
    %swap3A_305 = vector.shape_cast %select_n3A_299 : vector<2048x128xf32> to vector<1x2048x128xf32>
    tpu.vector_store %arg8[%swap3A_300, %swap3A_301, %swap3A_302], %swap3A_305 {strides = array<i32>} : memref<8x2048x128xf32, #tpu.memory_space<vmem>>, vector<1x2048x128xf32>,
    %dma_start3A_306 = arith.constant 1 : i32
    %dma_start3A_307 = arith.constant 1 : i32
    %dma_start3A_308 = tpu.memref_slice %arg10[%dma_start3A_307] : memref<8x!tpu.dma_semaphore, #tpu.memory_space<semaphore_mem>> -> memref<1x!tpu.dma_semaphore, #tpu.memory_space<semaphore_mem>>
    %dma_start3A_309 = tpu.memref_squeeze %dma_start3A_308 : memref<1x!tpu.dma_semaphore, #tpu.memory_space<semaphore_mem>> -> memref<!tpu.dma_semaphore, #tpu.memory_space<semaphore_mem>>
    %dma_start3A_310 = arith.constant 2048 : i32
    %dma_start3A_311 = arith.constant 0 : i32
    %dma_start3A_312 = tpu.memref_slice %arg7[%dma_start3A_310, %dma_start3A_311] : memref<16384x128xf32, #tpu.memory_space<hbm>> -> memref<2048x128xf32, #tpu.memory_space<hbm>>
    %dma_start3A_313 = arith.constant 0 : i32
    %dma_start3A_314 = arith.constant 0 : i32
    %dma_start3A_315 = tpu.memref_slice %arg8[%dma_start3A_306, %dma_start3A_313, %dma_start3A_314] : memref<8x2048x128xf32, #tpu.memory_space<vmem>> -> memref<1x2048x128xf32, #tpu.memory_space<vmem>>
    %dma_start3A_316 = tpu.memref_squeeze %dma_start3A_315 : memref<1x2048x128xf32, #tpu.memory_space<vmem>> -> memref<2048x128xf32, #tpu.memory_space<vmem>>
    tpu.enqueue_dma source(%dma_start3A_316 : memref<2048x128xf32, #tpu.memory_space<vmem>>) target(%dma_start3A_312 : memref<2048x128xf32, #tpu.memory_space<hbm>>) target_semaphore(%dma_start3A_309 : memref<!tpu.dma_semaphore, #tpu.memory_space<semaphore_mem>>)
    %get3A_317 = arith.constant 4 : index
    %get3A_318 = arith.constant 0 : index
    %get3A_319 = vector.load %arg4[%get3A_317, %get3A_318] : memref<64x512xf32, #tpu.memory_space<vmem>>, vector<4x512xf32>
    %get3A_320 = arith.constant 36 : index
    %get3A_321 = arith.constant 0 : index
    %get3A_322 = vector.load %arg4[%get3A_320, %get3A_321] : memref<64x512xf32, #tpu.memory_space<vmem>>, vector<4x512xf32>
    %mul3A_323 = arith.mulf %get3A_319, %get3A_322 : vector<4x512xf32>
    %slice3A_324 = vector.extract_strided_slice %mul3A_323 {offsets = [0, 0], sizes = [1, 512], strides = [1, 1]} : vector<4x512xf32> to vector<1x512xf32>
    %squeeze3A_325 = vector.shape_cast %slice3A_324 : vector<1x512xf32> to vector<512xf32>
    %broadcast_in_dim3A_326 = vector.shape_cast %squeeze3A_325 : vector<512xf32> to vector<1x512xf32>
    %get3A_327 = arith.constant 1 : index
    %get3A_328 = arith.constant 0 : index
    %get3A_329 = arith.constant 0 : index
    %get3A_330 = vector.load %arg8[%get3A_327, %get3A_328, %get3A_329] : memref<8x2048x128xf32, #tpu.memory_space<vmem>>, vector<1x512x128xf32>
    %get3A_331 = vector.shape_cast %get3A_330 : vector<1x512x128xf32> to vector<512x128xf32>
    %dot_general3A_332 = arith.constant dense<0.000000e+00> : vector<1x128xf32>
    %dot_general3A_333 = tpu.matmul %broadcast_in_dim3A_326, %get3A_331, %dot_general3A_332 {dimension_numbers = #tpu.dot_dimension_numbers<[1], [0], [0], [1], [0, 0, 1, 1], [], []>, transpose_lhs_hint = false} : vector<1x512xf32>, vector<512x128xf32>, vector<1x128xf32> -> vector<1x128xf32>
    %slice3A_334 = vector.extract_strided_slice %mul3A_323 {offsets = [1, 0], sizes = [1, 512], strides = [1, 1]} : vector<4x512xf32> to vector<1x512xf32>
    %squeeze3A_335 = vector.shape_cast %slice3A_334 : vector<1x512xf32> to vector<512xf32>
    %broadcast_in_dim3A_336 = vector.shape_cast %squeeze3A_335 : vector<512xf32> to vector<1x512xf32>
    %get3A_337 = arith.constant 1 : index
    %get3A_338 = arith.constant 512 : index
    %get3A_339 = arith.constant 0 : index
    %get3A_340 = vector.load %arg8[%get3A_337, %get3A_338, %get3A_339] : memref<8x2048x128xf32, #tpu.memory_space<vmem>>, vector<1x512x128xf32>
    %get3A_341 = vector.shape_cast %get3A_340 : vector<1x512x128xf32> to vector<512x128xf32>
    %dot_general3A_342 = arith.constant dense<0.000000e+00> : vector<1x128xf32>
    %dot_general3A_343 = tpu.matmul %broadcast_in_dim3A_336, %get3A_341, %dot_general3A_342 {dimension_numbers = #tpu.dot_dimension_numbers<[1], [0], [0], [1], [0, 0, 1, 1], [], []>, transpose_lhs_hint = false} : vector<1x512xf32>, vector<512x128xf32>, vector<1x128xf32> -> vector<1x128xf32>
    %slice3A_344 = vector.extract_strided_slice %mul3A_323 {offsets = [2, 0], sizes = [1, 512], strides = [1, 1]} : vector<4x512xf32> to vector<1x512xf32>
    %squeeze3A_345 = vector.shape_cast %slice3A_344 : vector<1x512xf32> to vector<512xf32>
    %broadcast_in_dim3A_346 = vector.shape_cast %squeeze3A_345 : vector<512xf32> to vector<1x512xf32>
    %get3A_347 = arith.constant 1 : index
    %get3A_348 = arith.constant 1024 : index
    %get3A_349 = arith.constant 0 : index
    %get3A_350 = vector.load %arg8[%get3A_347, %get3A_348, %get3A_349] : memref<8x2048x128xf32, #tpu.memory_space<vmem>>, vector<1x512x128xf32>
    %get3A_351 = vector.shape_cast %get3A_350 : vector<1x512x128xf32> to vector<512x128xf32>
    %dot_general3A_352 = arith.constant dense<0.000000e+00> : vector<1x128xf32>
    %dot_general3A_353 = tpu.matmul %broadcast_in_dim3A_346, %get3A_351, %dot_general3A_352 {dimension_numbers = #tpu.dot_dimension_numbers<[1], [0], [0], [1], [0, 0, 1, 1], [], []>, transpose_lhs_hint = false} : vector<1x512xf32>, vector<512x128xf32>, vector<1x128xf32> -> vector<1x128xf32>
    %slice3A_354 = vector.extract_strided_slice %mul3A_323 {offsets = [3, 0], sizes = [1, 512], strides = [1, 1]} : vector<4x512xf32> to vector<1x512xf32>
    %squeeze3A_355 = vector.shape_cast %slice3A_354 : vector<1x512xf32> to vector<512xf32>
    %broadcast_in_dim3A_356 = vector.shape_cast %squeeze3A_355 : vector<512xf32> to vector<1x512xf32>
    %get3A_357 = arith.constant 1 : index
    %get3A_358 = arith.constant 1536 : index
    %get3A_359 = arith.constant 0 : index
    %get3A_360 = vector.load %arg8[%get3A_357, %get3A_358, %get3A_359] : memref<8x2048x128xf32, #tpu.memory_space<vmem>>, vector<1x512x128xf32>
    %get3A_361 = vector.shape_cast %get3A_360 : vector<1x512x128xf32> to vector<512x128xf32>
    %dot_general3A_362 = arith.constant dense<0.000000e+00> : vector<1x128xf32>
    %dot_general3A_363 = tpu.matmul %broadcast_in_dim3A_356, %get3A_361, %dot_general3A_362 {dimension_numbers = #tpu.dot_dimension_numbers<[1], [0], [0], [1], [0, 0, 1, 1], [], []>, transpose_lhs_hint = false} : vector<1x512xf32>, vector<512x128xf32>, vector<1x128xf32> -> vector<1x128xf32>
    %concatenate3A_364 = tpu.concatenate %dot_general3A_333, %dot_general3A_343, %dot_general3A_353, %dot_general3A_363 in 0 : vector<1x128xf32>, vector<1x128xf32>, vector<1x128xf32>, vector<1x128xf32> -> vector<4x128xf32>
    %get3A_365 = arith.constant 0 : index
    %get3A_366 = arith.constant 0 : index
    %get3A_367 = vector.load %arg3[%get3A_365, %get3A_366] : memref<128x128xf32, #tpu.memory_space<vmem>>, vector<128x128xf32>
    %dot_general3A_368 = arith.constant dense<0.000000e+00> : vector<4x128xf32>
    %dot_general3A_369 = tpu.matmul %concatenate3A_364, %get3A_367, %dot_general3A_368 {dimension_numbers = #tpu.dot_dimension_numbers<[1], [0], [0], [1], [0, 0, 1, 1], [], []>, transpose_lhs_hint = false} : vector<4x128xf32>, vector<128x128xf32>, vector<4x128xf32> -> vector<4x128xf32>
    %tanh3A_370 = math.tanh %dot_general3A_369 : vector<4x128xf32>
    %swap3A_371 = arith.constant 4 : index
    %swap3A_372 = arith.constant 0 : index
    %swap3A_373 = vector.load %arg6[%swap3A_371, %swap3A_372] : memref<32x128xf32, #tpu.memory_space<vmem>>, vector<4x128xf32>
    tpu.vector_store %arg6[%swap3A_371, %swap3A_372], %tanh3A_370 {strides = array<i32>} : memref<32x128xf32, #tpu.memory_space<vmem>>, vector<4x128xf32>,
    %dma_wait3A_374 = arith.constant 2 : i32
    %dma_wait3A_375 = arith.constant 2 : i32
    %dma_wait3A_376 = tpu.memref_slice %arg9[%dma_wait3A_375] : memref<8x!tpu.dma_semaphore, #tpu.memory_space<semaphore_mem>> -> memref<1x!tpu.dma_semaphore, #tpu.memory_space<semaphore_mem>>
    %dma_wait3A_377 = tpu.memref_squeeze %dma_wait3A_376 : memref<1x!tpu.dma_semaphore, #tpu.memory_space<semaphore_mem>> -> memref<!tpu.dma_semaphore, #tpu.memory_space<semaphore_mem>>
    %dma_wait3A_378 = arith.constant 0 : i32
    %dma_wait3A_379 = arith.constant 0 : i32
    %dma_wait3A_380 = tpu.memref_slice %arg8[%dma_wait3A_374, %dma_wait3A_378, %dma_wait3A_379] : memref<8x2048x128xf32, #tpu.memory_space<vmem>> -> memref<1x2048x128xf32, #tpu.memory_space<vmem>>
    %dma_wait3A_381 = tpu.memref_squeeze %dma_wait3A_380 : memref<1x2048x128xf32, #tpu.memory_space<vmem>> -> memref<2048x128xf32, #tpu.memory_space<vmem>>
    %dma_wait3A_382 = arith.constant 4096 : i32
    %dma_wait3A_383 = arith.constant 0 : i32
    %dma_wait3A_384 = tpu.memref_slice %arg5[%dma_wait3A_382, %dma_wait3A_383] : memref<16384x128xf32, #tpu.memory_space<hbm>> -> memref<2048x128xf32, #tpu.memory_space<hbm>>
    tpu.wait_dma2 semaphore(%dma_wait3A_377 : memref<!tpu.dma_semaphore, #tpu.memory_space<semaphore_mem>>) src(%dma_wait3A_384 : memref<2048x128xf32, #tpu.memory_space<hbm>>) dst(%dma_wait3A_381 : memref<2048x128xf32, #tpu.memory_space<vmem>>)
    %get3A_385 = arith.constant 2 : index
    %get3A_386 = arith.constant 0 : index
    %get3A_387 = arith.constant 0 : index
    %get3A_388 = vector.load %arg8[%get3A_385, %get3A_386, %get3A_387] : memref<8x2048x128xf32, #tpu.memory_space<vmem>>, vector<1x2048x128xf32>
    %get3A_389 = vector.shape_cast %get3A_388 : vector<1x2048x128xf32> to vector<2048x128xf32>
    %get3A_390 = arith.constant 8 : index
    %get3A_391 = memref.load %arg1[%get3A_390] : memref<32xi32, #tpu.memory_space<smem>>
    %add3A_392 = arith.constant 0 : i32
    %add3A_393 = arith.addi %add3A_392, %get3A_391 : i32
    %eq3A_394 = vector.broadcast %add3A_393 : i32 to vector<2048x1xi32>
    %eq3A_395 = arith.cmpi eq, %iota3A, %eq3A_394 : vector<2048x1xi32>
    %get3A_396 = arith.constant 8 : index
    %get3A_397 = arith.constant 0 : index
    %get3A_398 = vector.load %arg2[%get3A_396, %get3A_397] : memref<32x128xf32, #tpu.memory_space<vmem>>, vector<1x128xf32>
    %get3A_399 = vector.shape_cast %get3A_398 : vector<1x128xf32> to vector<128xf32>
    %broadcast_in_dim3A_400 = vector.shape_cast %eq3A_395 : vector<2048x1xi1> to vector<2048x1xi1>
    %broadcast_in_dim3A_401 = vector.broadcast %broadcast_in_dim3A_400 : vector<2048x1xi1> to vector<2048x128xi1>
    %broadcast_in_dim3A_402 = vector.shape_cast %get3A_399 : vector<128xf32> to vector<1x128xf32>
    %broadcast_in_dim3A_403 = vector.broadcast %broadcast_in_dim3A_402 : vector<1x128xf32> to vector<2048x128xf32>
    %select_n3A_404 = arith.select %broadcast_in_dim3A_401, %broadcast_in_dim3A_403, %get3A_389 : vector<2048x128xi1>, vector<2048x128xf32>
    %get3A_405 = arith.constant 9 : index
    %get3A_406 = memref.load %arg1[%get3A_405] : memref<32xi32, #tpu.memory_space<smem>>
    %add3A_407 = arith.constant 512 : i32
    %add3A_408 = arith.addi %add3A_407, %get3A_406 : i32
    %eq3A_409 = vector.broadcast %add3A_408 : i32 to vector<2048x1xi32>
    %eq3A_410 = arith.cmpi eq, %iota3A, %eq3A_409 : vector<2048x1xi32>
    %get3A_411 = arith.constant 9 : index
    %get3A_412 = arith.constant 0 : index
    %get3A_413 = vector.load %arg2[%get3A_411, %get3A_412] : memref<32x128xf32, #tpu.memory_space<vmem>>, vector<1x128xf32>
    %get3A_414 = vector.shape_cast %get3A_413 : vector<1x128xf32> to vector<128xf32>
    %broadcast_in_dim3A_415 = vector.shape_cast %eq3A_410 : vector<2048x1xi1> to vector<2048x1xi1>
    %broadcast_in_dim3A_416 = vector.broadcast %broadcast_in_dim3A_415 : vector<2048x1xi1> to vector<2048x128xi1>
    %broadcast_in_dim3A_417 = vector.shape_cast %get3A_414 : vector<128xf32> to vector<1x128xf32>
    %broadcast_in_dim3A_418 = vector.broadcast %broadcast_in_dim3A_417 : vector<1x128xf32> to vector<2048x128xf32>
    %select_n3A_419 = arith.select %broadcast_in_dim3A_416, %broadcast_in_dim3A_418, %select_n3A_404 : vector<2048x128xi1>, vector<2048x128xf32>
    %get3A_420 = arith.constant 10 : index
    %get3A_421 = memref.load %arg1[%get3A_420] : memref<32xi32, #tpu.memory_space<smem>>
    %add3A_422 = arith.constant 1024 : i32
    %add3A_423 = arith.addi %add3A_422, %get3A_421 : i32
    %eq3A_424 = vector.broadcast %add3A_423 : i32 to vector<2048x1xi32>
    %eq3A_425 = arith.cmpi eq, %iota3A, %eq3A_424 : vector<2048x1xi32>
    %get3A_426 = arith.constant 10 : index
    %get3A_427 = arith.constant 0 : index
    %get3A_428 = vector.load %arg2[%get3A_426, %get3A_427] : memref<32x128xf32, #tpu.memory_space<vmem>>, vector<1x128xf32>
    %get3A_429 = vector.shape_cast %get3A_428 : vector<1x128xf32> to vector<128xf32>
    %broadcast_in_dim3A_430 = vector.shape_cast %eq3A_425 : vector<2048x1xi1> to vector<2048x1xi1>
    %broadcast_in_dim3A_431 = vector.broadcast %broadcast_in_dim3A_430 : vector<2048x1xi1> to vector<2048x128xi1>
    %broadcast_in_dim3A_432 = vector.shape_cast %get3A_429 : vector<128xf32> to vector<1x128xf32>
    %broadcast_in_dim3A_433 = vector.broadcast %broadcast_in_dim3A_432 : vector<1x128xf32> to vector<2048x128xf32>
    %select_n3A_434 = arith.select %broadcast_in_dim3A_431, %broadcast_in_dim3A_433, %select_n3A_419 : vector<2048x128xi1>, vector<2048x128xf32>
    %get3A_435 = arith.constant 11 : index
    %get3A_436 = memref.load %arg1[%get3A_435] : memref<32xi32, #tpu.memory_space<smem>>
    %add3A_437 = arith.constant 1536 : i32
    %add3A_438 = arith.addi %add3A_437, %get3A_436 : i32
    %eq3A_439 = vector.broadcast %add3A_438 : i32 to vector<2048x1xi32>
    %eq3A_440 = arith.cmpi eq, %iota3A, %eq3A_439 : vector<2048x1xi32>
    %get3A_441 = arith.constant 11 : index
    %get3A_442 = arith.constant 0 : index
    %get3A_443 = vector.load %arg2[%get3A_441, %get3A_442] : memref<32x128xf32, #tpu.memory_space<vmem>>, vector<1x128xf32>
    %get3A_444 = vector.shape_cast %get3A_443 : vector<1x128xf32> to vector<128xf32>
    %broadcast_in_dim3A_445 = vector.shape_cast %eq3A_440 : vector<2048x1xi1> to vector<2048x1xi1>
    %broadcast_in_dim3A_446 = vector.broadcast %broadcast_in_dim3A_445 : vector<2048x1xi1> to vector<2048x128xi1>
    %broadcast_in_dim3A_447 = vector.shape_cast %get3A_444 : vector<128xf32> to vector<1x128xf32>
    %broadcast_in_dim3A_448 = vector.broadcast %broadcast_in_dim3A_447 : vector<1x128xf32> to vector<2048x128xf32>
    %select_n3A_449 = arith.select %broadcast_in_dim3A_446, %broadcast_in_dim3A_448, %select_n3A_434 : vector<2048x128xi1>, vector<2048x128xf32>
    %swap3A_450 = arith.constant 2 : index
    %swap3A_451 = arith.constant 0 : index
    %swap3A_452 = arith.constant 0 : index
    %swap3A_453 = vector.load %arg8[%swap3A_450, %swap3A_451, %swap3A_452] : memref<8x2048x128xf32, #tpu.memory_space<vmem>>, vector<1x2048x128xf32>
    %swap3A_454 = vector.shape_cast %swap3A_453 : vector<1x2048x128xf32> to vector<2048x128xf32>
    %swap3A_455 = vector.shape_cast %select_n3A_449 : vector<2048x128xf32> to vector<1x2048x128xf32>
    tpu.vector_store %arg8[%swap3A_450, %swap3A_451, %swap3A_452], %swap3A_455 {strides = array<i32>} : memref<8x2048x128xf32, #tpu.memory_space<vmem>>, vector<1x2048x128xf32>,
    %dma_start3A_456 = arith.constant 2 : i32
    %dma_start3A_457 = arith.constant 2 : i32
    %dma_start3A_458 = tpu.memref_slice %arg10[%dma_start3A_457] : memref<8x!tpu.dma_semaphore, #tpu.memory_space<semaphore_mem>> -> memref<1x!tpu.dma_semaphore, #tpu.memory_space<semaphore_mem>>
    %dma_start3A_459 = tpu.memref_squeeze %dma_start3A_458 : memref<1x!tpu.dma_semaphore, #tpu.memory_space<semaphore_mem>> -> memref<!tpu.dma_semaphore, #tpu.memory_space<semaphore_mem>>
    %dma_start3A_460 = arith.constant 4096 : i32
    %dma_start3A_461 = arith.constant 0 : i32
    %dma_start3A_462 = tpu.memref_slice %arg7[%dma_start3A_460, %dma_start3A_461] : memref<16384x128xf32, #tpu.memory_space<hbm>> -> memref<2048x128xf32, #tpu.memory_space<hbm>>
    %dma_start3A_463 = arith.constant 0 : i32
    %dma_start3A_464 = arith.constant 0 : i32
    %dma_start3A_465 = tpu.memref_slice %arg8[%dma_start3A_456, %dma_start3A_463, %dma_start3A_464] : memref<8x2048x128xf32, #tpu.memory_space<vmem>> -> memref<1x2048x128xf32, #tpu.memory_space<vmem>>
    %dma_start3A_466 = tpu.memref_squeeze %dma_start3A_465 : memref<1x2048x128xf32, #tpu.memory_space<vmem>> -> memref<2048x128xf32, #tpu.memory_space<vmem>>
    tpu.enqueue_dma source(%dma_start3A_466 : memref<2048x128xf32, #tpu.memory_space<vmem>>) target(%dma_start3A_462 : memref<2048x128xf32, #tpu.memory_space<hbm>>) target_semaphore(%dma_start3A_459 : memref<!tpu.dma_semaphore, #tpu.memory_space<semaphore_mem>>)
    %get3A_467 = arith.constant 8 : index
    %get3A_468 = arith.constant 0 : index
    %get3A_469 = vector.load %arg4[%get3A_467, %get3A_468] : memref<64x512xf32, #tpu.memory_space<vmem>>, vector<4x512xf32>
    %get3A_470 = arith.constant 40 : index
    %get3A_471 = arith.constant 0 : index
    %get3A_472 = vector.load %arg4[%get3A_470, %get3A_471] : memref<64x512xf32, #tpu.memory_space<vmem>>, vector<4x512xf32>
    %mul3A_473 = arith.mulf %get3A_469, %get3A_472 : vector<4x512xf32>
    %slice3A_474 = vector.extract_strided_slice %mul3A_473 {offsets = [0, 0], sizes = [1, 512], strides = [1, 1]} : vector<4x512xf32> to vector<1x512xf32>
    %squeeze3A_475 = vector.shape_cast %slice3A_474 : vector<1x512xf32> to vector<512xf32>
    %broadcast_in_dim3A_476 = vector.shape_cast %squeeze3A_475 : vector<512xf32> to vector<1x512xf32>
    %get3A_477 = arith.constant 2 : index
    %get3A_478 = arith.constant 0 : index
    %get3A_479 = arith.constant 0 : index
    %get3A_480 = vector.load %arg8[%get3A_477, %get3A_478, %get3A_479] : memref<8x2048x128xf32, #tpu.memory_space<vmem>>, vector<1x512x128xf32>
    %get3A_481 = vector.shape_cast %get3A_480 : vector<1x512x128xf32> to vector<512x128xf32>
    %dot_general3A_482 = arith.constant dense<0.000000e+00> : vector<1x128xf32>
    %dot_general3A_483 = tpu.matmul %broadcast_in_dim3A_476, %get3A_481, %dot_general3A_482 {dimension_numbers = #tpu.dot_dimension_numbers<[1], [0], [0], [1], [0, 0, 1, 1], [], []>, transpose_lhs_hint = false} : vector<1x512xf32>, vector<512x128xf32>, vector<1x128xf32> -> vector<1x128xf32>
    %slice3A_484 = vector.extract_strided_slice %mul3A_473 {offsets = [1, 0], sizes = [1, 512], strides = [1, 1]} : vector<4x512xf32> to vector<1x512xf32>
    %squeeze3A_485 = vector.shape_cast %slice3A_484 : vector<1x512xf32> to vector<512xf32>
    %broadcast_in_dim3A_486 = vector.shape_cast %squeeze3A_485 : vector<512xf32> to vector<1x512xf32>
    %get3A_487 = arith.constant 2 : index
    %get3A_488 = arith.constant 512 : index
    %get3A_489 = arith.constant 0 : index
    %get3A_490 = vector.load %arg8[%get3A_487, %get3A_488, %get3A_489] : memref<8x2048x128xf32, #tpu.memory_space<vmem>>, vector<1x512x128xf32>
    %get3A_491 = vector.shape_cast %get3A_490 : vector<1x512x128xf32> to vector<512x128xf32>
    %dot_general3A_492 = arith.constant dense<0.000000e+00> : vector<1x128xf32>
    %dot_general3A_493 = tpu.matmul %broadcast_in_dim3A_486, %get3A_491, %dot_general3A_492 {dimension_numbers = #tpu.dot_dimension_numbers<[1], [0], [0], [1], [0, 0, 1, 1], [], []>, transpose_lhs_hint = false} : vector<1x512xf32>, vector<512x128xf32>, vector<1x128xf32> -> vector<1x128xf32>
    %slice3A_494 = vector.extract_strided_slice %mul3A_473 {offsets = [2, 0], sizes = [1, 512], strides = [1, 1]} : vector<4x512xf32> to vector<1x512xf32>
    %squeeze3A_495 = vector.shape_cast %slice3A_494 : vector<1x512xf32> to vector<512xf32>
    %broadcast_in_dim3A_496 = vector.shape_cast %squeeze3A_495 : vector<512xf32> to vector<1x512xf32>
    %get3A_497 = arith.constant 2 : index
    %get3A_498 = arith.constant 1024 : index
    %get3A_499 = arith.constant 0 : index
    %get3A_500 = vector.load %arg8[%get3A_497, %get3A_498, %get3A_499] : memref<8x2048x128xf32, #tpu.memory_space<vmem>>, vector<1x512x128xf32>
    %get3A_501 = vector.shape_cast %get3A_500 : vector<1x512x128xf32> to vector<512x128xf32>
    %dot_general3A_502 = arith.constant dense<0.000000e+00> : vector<1x128xf32>
    %dot_general3A_503 = tpu.matmul %broadcast_in_dim3A_496, %get3A_501, %dot_general3A_502 {dimension_numbers = #tpu.dot_dimension_numbers<[1], [0], [0], [1], [0, 0, 1, 1], [], []>, transpose_lhs_hint = false} : vector<1x512xf32>, vector<512x128xf32>, vector<1x128xf32> -> vector<1x128xf32>
    %slice3A_504 = vector.extract_strided_slice %mul3A_473 {offsets = [3, 0], sizes = [1, 512], strides = [1, 1]} : vector<4x512xf32> to vector<1x512xf32>
    %squeeze3A_505 = vector.shape_cast %slice3A_504 : vector<1x512xf32> to vector<512xf32>
    %broadcast_in_dim3A_506 = vector.shape_cast %squeeze3A_505 : vector<512xf32> to vector<1x512xf32>
    %get3A_507 = arith.constant 2 : index
    %get3A_508 = arith.constant 1536 : index
    %get3A_509 = arith.constant 0 : index
    %get3A_510 = vector.load %arg8[%get3A_507, %get3A_508, %get3A_509] : memref<8x2048x128xf32, #tpu.memory_space<vmem>>, vector<1x512x128xf32>
    %get3A_511 = vector.shape_cast %get3A_510 : vector<1x512x128xf32> to vector<512x128xf32>
    %dot_general3A_512 = arith.constant dense<0.000000e+00> : vector<1x128xf32>
    %dot_general3A_513 = tpu.matmul %broadcast_in_dim3A_506, %get3A_511, %dot_general3A_512 {dimension_numbers = #tpu.dot_dimension_numbers<[1], [0], [0], [1], [0, 0, 1, 1], [], []>, transpose_lhs_hint = false} : vector<1x512xf32>, vector<512x128xf32>, vector<1x128xf32> -> vector<1x128xf32>
    %concatenate3A_514 = tpu.concatenate %dot_general3A_483, %dot_general3A_493, %dot_general3A_503, %dot_general3A_513 in 0 : vector<1x128xf32>, vector<1x128xf32>, vector<1x128xf32>, vector<1x128xf32> -> vector<4x128xf32>
    %get3A_515 = arith.constant 0 : index
    %get3A_516 = arith.constant 0 : index
    %get3A_517 = vector.load %arg3[%get3A_515, %get3A_516] : memref<128x128xf32, #tpu.memory_space<vmem>>, vector<128x128xf32>
    %dot_general3A_518 = arith.constant dense<0.000000e+00> : vector<4x128xf32>
    %dot_general3A_519 = tpu.matmul %concatenate3A_514, %get3A_517, %dot_general3A_518 {dimension_numbers = #tpu.dot_dimension_numbers<[1], [0], [0], [1], [0, 0, 1, 1], [], []>, transpose_lhs_hint = false} : vector<4x128xf32>, vector<128x128xf32>, vector<4x128xf32> -> vector<4x128xf32>
    %tanh3A_520 = math.tanh %dot_general3A_519 : vector<4x128xf32>
    %swap3A_521 = arith.constant 8 : index
    %swap3A_522 = arith.constant 0 : index
    %swap3A_523 = vector.load %arg6[%swap3A_521, %swap3A_522] : memref<32x128xf32, #tpu.memory_space<vmem>>, vector<4x128xf32>
    tpu.vector_store %arg6[%swap3A_521, %swap3A_522], %tanh3A_520 {strides = array<i32>} : memref<32x128xf32, #tpu.memory_space<vmem>>, vector<4x128xf32>,
    %dma_wait3A_524 = arith.constant 3 : i32
    %dma_wait3A_525 = arith.constant 3 : i32
    %dma_wait3A_526 = tpu.memref_slice %arg9[%dma_wait3A_525] : memref<8x!tpu.dma_semaphore, #tpu.memory_space<semaphore_mem>> -> memref<1x!tpu.dma_semaphore, #tpu.memory_space<semaphore_mem>>
    %dma_wait3A_527 = tpu.memref_squeeze %dma_wait3A_526 : memref<1x!tpu.dma_semaphore, #tpu.memory_space<semaphore_mem>> -> memref<!tpu.dma_semaphore, #tpu.memory_space<semaphore_mem>>
    %dma_wait3A_528 = arith.constant 0 : i32
    %dma_wait3A_529 = arith.constant 0 : i32
    %dma_wait3A_530 = tpu.memref_slice %arg8[%dma_wait3A_524, %dma_wait3A_528, %dma_wait3A_529] : memref<8x2048x128xf32, #tpu.memory_space<vmem>> -> memref<1x2048x128xf32, #tpu.memory_space<vmem>>
    %dma_wait3A_531 = tpu.memref_squeeze %dma_wait3A_530 : memref<1x2048x128xf32, #tpu.memory_space<vmem>> -> memref<2048x128xf32, #tpu.memory_space<vmem>>
    %dma_wait3A_532 = arith.constant 6144 : i32
    %dma_wait3A_533 = arith.constant 0 : i32
    %dma_wait3A_534 = tpu.memref_slice %arg5[%dma_wait3A_532, %dma_wait3A_533] : memref<16384x128xf32, #tpu.memory_space<hbm>> -> memref<2048x128xf32, #tpu.memory_space<hbm>>
    tpu.wait_dma2 semaphore(%dma_wait3A_527 : memref<!tpu.dma_semaphore, #tpu.memory_space<semaphore_mem>>) src(%dma_wait3A_534 : memref<2048x128xf32, #tpu.memory_space<hbm>>) dst(%dma_wait3A_531 : memref<2048x128xf32, #tpu.memory_space<vmem>>)
    %get3A_535 = arith.constant 3 : index
    %get3A_536 = arith.constant 0 : index
    %get3A_537 = arith.constant 0 : index
    %get3A_538 = vector.load %arg8[%get3A_535, %get3A_536, %get3A_537] : memref<8x2048x128xf32, #tpu.memory_space<vmem>>, vector<1x2048x128xf32>
    %get3A_539 = vector.shape_cast %get3A_538 : vector<1x2048x128xf32> to vector<2048x128xf32>
    %get3A_540 = arith.constant 12 : index
    %get3A_541 = memref.load %arg1[%get3A_540] : memref<32xi32, #tpu.memory_space<smem>>
    %add3A_542 = arith.constant 0 : i32
    %add3A_543 = arith.addi %add3A_542, %get3A_541 : i32
    %eq3A_544 = vector.broadcast %add3A_543 : i32 to vector<2048x1xi32>
    %eq3A_545 = arith.cmpi eq, %iota3A, %eq3A_544 : vector<2048x1xi32>
    %get3A_546 = arith.constant 12 : index
    %get3A_547 = arith.constant 0 : index
    %get3A_548 = vector.load %arg2[%get3A_546, %get3A_547] : memref<32x128xf32, #tpu.memory_space<vmem>>, vector<1x128xf32>
    %get3A_549 = vector.shape_cast %get3A_548 : vector<1x128xf32> to vector<128xf32>
    %broadcast_in_dim3A_550 = vector.shape_cast %eq3A_545 : vector<2048x1xi1> to vector<2048x1xi1>
    %broadcast_in_dim3A_551 = vector.broadcast %broadcast_in_dim3A_550 : vector<2048x1xi1> to vector<2048x128xi1>
    %broadcast_in_dim3A_552 = vector.shape_cast %get3A_549 : vector<128xf32> to vector<1x128xf32>
    %broadcast_in_dim3A_553 = vector.broadcast %broadcast_in_dim3A_552 : vector<1x128xf32> to vector<2048x128xf32>
    %select_n3A_554 = arith.select %broadcast_in_dim3A_551, %broadcast_in_dim3A_553, %get3A_539 : vector<2048x128xi1>, vector<2048x128xf32>
    %get3A_555 = arith.constant 13 : index
    %get3A_556 = memref.load %arg1[%get3A_555] : memref<32xi32, #tpu.memory_space<smem>>
    %add3A_557 = arith.constant 512 : i32
    %add3A_558 = arith.addi %add3A_557, %get3A_556 : i32
    %eq3A_559 = vector.broadcast %add3A_558 : i32 to vector<2048x1xi32>
    %eq3A_560 = arith.cmpi eq, %iota3A, %eq3A_559 : vector<2048x1xi32>
    %get3A_561 = arith.constant 13 : index
    %get3A_562 = arith.constant 0 : index
    %get3A_563 = vector.load %arg2[%get3A_561, %get3A_562] : memref<32x128xf32, #tpu.memory_space<vmem>>, vector<1x128xf32>
    %get3A_564 = vector.shape_cast %get3A_563 : vector<1x128xf32> to vector<128xf32>
    %broadcast_in_dim3A_565 = vector.shape_cast %eq3A_560 : vector<2048x1xi1> to vector<2048x1xi1>
    %broadcast_in_dim3A_566 = vector.broadcast %broadcast_in_dim3A_565 : vector<2048x1xi1> to vector<2048x128xi1>
    %broadcast_in_dim3A_567 = vector.shape_cast %get3A_564 : vector<128xf32> to vector<1x128xf32>
    %broadcast_in_dim3A_568 = vector.broadcast %broadcast_in_dim3A_567 : vector<1x128xf32> to vector<2048x128xf32>
    %select_n3A_569 = arith.select %broadcast_in_dim3A_566, %broadcast_in_dim3A_568, %select_n3A_554 : vector<2048x128xi1>, vector<2048x128xf32>
    %get3A_570 = arith.constant 14 : index
    %get3A_571 = memref.load %arg1[%get3A_570] : memref<32xi32, #tpu.memory_space<smem>>
    %add3A_572 = arith.constant 1024 : i32
    %add3A_573 = arith.addi %add3A_572, %get3A_571 : i32
    %eq3A_574 = vector.broadcast %add3A_573 : i32 to vector<2048x1xi32>
    %eq3A_575 = arith.cmpi eq, %iota3A, %eq3A_574 : vector<2048x1xi32>
    %get3A_576 = arith.constant 14 : index
    %get3A_577 = arith.constant 0 : index
    %get3A_578 = vector.load %arg2[%get3A_576, %get3A_577] : memref<32x128xf32, #tpu.memory_space<vmem>>, vector<1x128xf32>
    %get3A_579 = vector.shape_cast %get3A_578 : vector<1x128xf32> to vector<128xf32>
    %broadcast_in_dim3A_580 = vector.shape_cast %eq3A_575 : vector<2048x1xi1> to vector<2048x1xi1>
    %broadcast_in_dim3A_581 = vector.broadcast %broadcast_in_dim3A_580 : vector<2048x1xi1> to vector<2048x128xi1>
    %broadcast_in_dim3A_582 = vector.shape_cast %get3A_579 : vector<128xf32> to vector<1x128xf32>
    %broadcast_in_dim3A_583 = vector.broadcast %broadcast_in_dim3A_582 : vector<1x128xf32> to vector<2048x128xf32>
    %select_n3A_584 = arith.select %broadcast_in_dim3A_581, %broadcast_in_dim3A_583, %select_n3A_569 : vector<2048x128xi1>, vector<2048x128xf32>
    %get3A_585 = arith.constant 15 : index
    %get3A_586 = memref.load %arg1[%get3A_585] : memref<32xi32, #tpu.memory_space<smem>>
    %add3A_587 = arith.constant 1536 : i32
    %add3A_588 = arith.addi %add3A_587, %get3A_586 : i32
    %eq3A_589 = vector.broadcast %add3A_588 : i32 to vector<2048x1xi32>
    %eq3A_590 = arith.cmpi eq, %iota3A, %eq3A_589 : vector<2048x1xi32>
    %get3A_591 = arith.constant 15 : index
    %get3A_592 = arith.constant 0 : index
    %get3A_593 = vector.load %arg2[%get3A_591, %get3A_592] : memref<32x128xf32, #tpu.memory_space<vmem>>, vector<1x128xf32>
    %get3A_594 = vector.shape_cast %get3A_593 : vector<1x128xf32> to vector<128xf32>
    %broadcast_in_dim3A_595 = vector.shape_cast %eq3A_590 : vector<2048x1xi1> to vector<2048x1xi1>
    %broadcast_in_dim3A_596 = vector.broadcast %broadcast_in_dim3A_595 : vector<2048x1xi1> to vector<2048x128xi1>
    %broadcast_in_dim3A_597 = vector.shape_cast %get3A_594 : vector<128xf32> to vector<1x128xf32>
    %broadcast_in_dim3A_598 = vector.broadcast %broadcast_in_dim3A_597 : vector<1x128xf32> to vector<2048x128xf32>
    %select_n3A_599 = arith.select %broadcast_in_dim3A_596, %broadcast_in_dim3A_598, %select_n3A_584 : vector<2048x128xi1>, vector<2048x128xf32>
    %swap3A_600 = arith.constant 3 : index
    %swap3A_601 = arith.constant 0 : index
    %swap3A_602 = arith.constant 0 : index
    %swap3A_603 = vector.load %arg8[%swap3A_600, %swap3A_601, %swap3A_602] : memref<8x2048x128xf32, #tpu.memory_space<vmem>>, vector<1x2048x128xf32>
    %swap3A_604 = vector.shape_cast %swap3A_603 : vector<1x2048x128xf32> to vector<2048x128xf32>
    %swap3A_605 = vector.shape_cast %select_n3A_599 : vector<2048x128xf32> to vector<1x2048x128xf32>
    tpu.vector_store %arg8[%swap3A_600, %swap3A_601, %swap3A_602], %swap3A_605 {strides = array<i32>} : memref<8x2048x128xf32, #tpu.memory_space<vmem>>, vector<1x2048x128xf32>,
    %dma_start3A_606 = arith.constant 3 : i32
    %dma_start3A_607 = arith.constant 3 : i32
    %dma_start3A_608 = tpu.memref_slice %arg10[%dma_start3A_607] : memref<8x!tpu.dma_semaphore, #tpu.memory_space<semaphore_mem>> -> memref<1x!tpu.dma_semaphore, #tpu.memory_space<semaphore_mem>>
    %dma_start3A_609 = tpu.memref_squeeze %dma_start3A_608 : memref<1x!tpu.dma_semaphore, #tpu.memory_space<semaphore_mem>> -> memref<!tpu.dma_semaphore, #tpu.memory_space<semaphore_mem>>
    %dma_start3A_610 = arith.constant 6144 : i32
    %dma_start3A_611 = arith.constant 0 : i32
    %dma_start3A_612 = tpu.memref_slice %arg7[%dma_start3A_610, %dma_start3A_611] : memref<16384x128xf32, #tpu.memory_space<hbm>> -> memref<2048x128xf32, #tpu.memory_space<hbm>>
    %dma_start3A_613 = arith.constant 0 : i32
    %dma_start3A_614 = arith.constant 0 : i32
    %dma_start3A_615 = tpu.memref_slice %arg8[%dma_start3A_606, %dma_start3A_613, %dma_start3A_614] : memref<8x2048x128xf32, #tpu.memory_space<vmem>> -> memref<1x2048x128xf32, #tpu.memory_space<vmem>>
    %dma_start3A_616 = tpu.memref_squeeze %dma_start3A_615 : memref<1x2048x128xf32, #tpu.memory_space<vmem>> -> memref<2048x128xf32, #tpu.memory_space<vmem>>
    tpu.enqueue_dma source(%dma_start3A_616 : memref<2048x128xf32, #tpu.memory_space<vmem>>) target(%dma_start3A_612 : memref<2048x128xf32, #tpu.memory_space<hbm>>) target_semaphore(%dma_start3A_609 : memref<!tpu.dma_semaphore, #tpu.memory_space<semaphore_mem>>)
    %get3A_617 = arith.constant 12 : index
    %get3A_618 = arith.constant 0 : index
    %get3A_619 = vector.load %arg4[%get3A_617, %get3A_618] : memref<64x512xf32, #tpu.memory_space<vmem>>, vector<4x512xf32>
    %get3A_620 = arith.constant 44 : index
    %get3A_621 = arith.constant 0 : index
    %get3A_622 = vector.load %arg4[%get3A_620, %get3A_621] : memref<64x512xf32, #tpu.memory_space<vmem>>, vector<4x512xf32>
    %mul3A_623 = arith.mulf %get3A_619, %get3A_622 : vector<4x512xf32>
    %slice3A_624 = vector.extract_strided_slice %mul3A_623 {offsets = [0, 0], sizes = [1, 512], strides = [1, 1]} : vector<4x512xf32> to vector<1x512xf32>
    %squeeze3A_625 = vector.shape_cast %slice3A_624 : vector<1x512xf32> to vector<512xf32>
    %broadcast_in_dim3A_626 = vector.shape_cast %squeeze3A_625 : vector<512xf32> to vector<1x512xf32>
    %get3A_627 = arith.constant 3 : index
    %get3A_628 = arith.constant 0 : index
    %get3A_629 = arith.constant 0 : index
    %get3A_630 = vector.load %arg8[%get3A_627, %get3A_628, %get3A_629] : memref<8x2048x128xf32, #tpu.memory_space<vmem>>, vector<1x512x128xf32>
    %get3A_631 = vector.shape_cast %get3A_630 : vector<1x512x128xf32> to vector<512x128xf32>
    %dot_general3A_632 = arith.constant dense<0.000000e+00> : vector<1x128xf32>
    %dot_general3A_633 = tpu.matmul %broadcast_in_dim3A_626, %get3A_631, %dot_general3A_632 {dimension_numbers = #tpu.dot_dimension_numbers<[1], [0], [0], [1], [0, 0, 1, 1], [], []>, transpose_lhs_hint = false} : vector<1x512xf32>, vector<512x128xf32>, vector<1x128xf32> -> vector<1x128xf32>
    %slice3A_634 = vector.extract_strided_slice %mul3A_623 {offsets = [1, 0], sizes = [1, 512], strides = [1, 1]} : vector<4x512xf32> to vector<1x512xf32>
    %squeeze3A_635 = vector.shape_cast %slice3A_634 : vector<1x512xf32> to vector<512xf32>
    %broadcast_in_dim3A_636 = vector.shape_cast %squeeze3A_635 : vector<512xf32> to vector<1x512xf32>
    %get3A_637 = arith.constant 3 : index
    %get3A_638 = arith.constant 512 : index
    %get3A_639 = arith.constant 0 : index
    %get3A_640 = vector.load %arg8[%get3A_637, %get3A_638, %get3A_639] : memref<8x2048x128xf32, #tpu.memory_space<vmem>>, vector<1x512x128xf32>
    %get3A_641 = vector.shape_cast %get3A_640 : vector<1x512x128xf32> to vector<512x128xf32>
    %dot_general3A_642 = arith.constant dense<0.000000e+00> : vector<1x128xf32>
    %dot_general3A_643 = tpu.matmul %broadcast_in_dim3A_636, %get3A_641, %dot_general3A_642 {dimension_numbers = #tpu.dot_dimension_numbers<[1], [0], [0], [1], [0, 0, 1, 1], [], []>, transpose_lhs_hint = false} : vector<1x512xf32>, vector<512x128xf32>, vector<1x128xf32> -> vector<1x128xf32>
    %slice3A_644 = vector.extract_strided_slice %mul3A_623 {offsets = [2, 0], sizes = [1, 512], strides = [1, 1]} : vector<4x512xf32> to vector<1x512xf32>
    %squeeze3A_645 = vector.shape_cast %slice3A_644 : vector<1x512xf32> to vector<512xf32>
    %broadcast_in_dim3A_646 = vector.shape_cast %squeeze3A_645 : vector<512xf32> to vector<1x512xf32>
    %get3A_647 = arith.constant 3 : index
    %get3A_648 = arith.constant 1024 : index
    %get3A_649 = arith.constant 0 : index
    %get3A_650 = vector.load %arg8[%get3A_647, %get3A_648, %get3A_649] : memref<8x2048x128xf32, #tpu.memory_space<vmem>>, vector<1x512x128xf32>
    %get3A_651 = vector.shape_cast %get3A_650 : vector<1x512x128xf32> to vector<512x128xf32>
    %dot_general3A_652 = arith.constant dense<0.000000e+00> : vector<1x128xf32>
    %dot_general3A_653 = tpu.matmul %broadcast_in_dim3A_646, %get3A_651, %dot_general3A_652 {dimension_numbers = #tpu.dot_dimension_numbers<[1], [0], [0], [1], [0, 0, 1, 1], [], []>, transpose_lhs_hint = false} : vector<1x512xf32>, vector<512x128xf32>, vector<1x128xf32> -> vector<1x128xf32>
    %slice3A_654 = vector.extract_strided_slice %mul3A_623 {offsets = [3, 0], sizes = [1, 512], strides = [1, 1]} : vector<4x512xf32> to vector<1x512xf32>
    %squeeze3A_655 = vector.shape_cast %slice3A_654 : vector<1x512xf32> to vector<512xf32>
    %broadcast_in_dim3A_656 = vector.shape_cast %squeeze3A_655 : vector<512xf32> to vector<1x512xf32>
    %get3A_657 = arith.constant 3 : index
    %get3A_658 = arith.constant 1536 : index
    %get3A_659 = arith.constant 0 : index
    %get3A_660 = vector.load %arg8[%get3A_657, %get3A_658, %get3A_659] : memref<8x2048x128xf32, #tpu.memory_space<vmem>>, vector<1x512x128xf32>
    %get3A_661 = vector.shape_cast %get3A_660 : vector<1x512x128xf32> to vector<512x128xf32>
    %dot_general3A_662 = arith.constant dense<0.000000e+00> : vector<1x128xf32>
    %dot_general3A_663 = tpu.matmul %broadcast_in_dim3A_656, %get3A_661, %dot_general3A_662 {dimension_numbers = #tpu.dot_dimension_numbers<[1], [0], [0], [1], [0, 0, 1, 1], [], []>, transpose_lhs_hint = false} : vector<1x512xf32>, vector<512x128xf32>, vector<1x128xf32> -> vector<1x128xf32>
    %concatenate3A_664 = tpu.concatenate %dot_general3A_633, %dot_general3A_643, %dot_general3A_653, %dot_general3A_663 in 0 : vector<1x128xf32>, vector<1x128xf32>, vector<1x128xf32>, vector<1x128xf32> -> vector<4x128xf32>
    %get3A_665 = arith.constant 0 : index
    %get3A_666 = arith.constant 0 : index
    %get3A_667 = vector.load %arg3[%get3A_665, %get3A_666] : memref<128x128xf32, #tpu.memory_space<vmem>>, vector<128x128xf32>
    %dot_general3A_668 = arith.constant dense<0.000000e+00> : vector<4x128xf32>
    %dot_general3A_669 = tpu.matmul %concatenate3A_664, %get3A_667, %dot_general3A_668 {dimension_numbers = #tpu.dot_dimension_numbers<[1], [0], [0], [1], [0, 0, 1, 1], [], []>, transpose_lhs_hint = false} : vector<4x128xf32>, vector<128x128xf32>, vector<4x128xf32> -> vector<4x128xf32>
    %tanh3A_670 = math.tanh %dot_general3A_669 : vector<4x128xf32>
    %swap3A_671 = arith.constant 12 : index
    %swap3A_672 = arith.constant 0 : index
    %swap3A_673 = vector.load %arg6[%swap3A_671, %swap3A_672] : memref<32x128xf32, #tpu.memory_space<vmem>>, vector<4x128xf32>
    tpu.vector_store %arg6[%swap3A_671, %swap3A_672], %tanh3A_670 {strides = array<i32>} : memref<32x128xf32, #tpu.memory_space<vmem>>, vector<4x128xf32>,
    %dma_wait3A_674 = arith.constant 4 : i32
    %dma_wait3A_675 = arith.constant 4 : i32
    %dma_wait3A_676 = tpu.memref_slice %arg9[%dma_wait3A_675] : memref<8x!tpu.dma_semaphore, #tpu.memory_space<semaphore_mem>> -> memref<1x!tpu.dma_semaphore, #tpu.memory_space<semaphore_mem>>
    %dma_wait3A_677 = tpu.memref_squeeze %dma_wait3A_676 : memref<1x!tpu.dma_semaphore, #tpu.memory_space<semaphore_mem>> -> memref<!tpu.dma_semaphore, #tpu.memory_space<semaphore_mem>>
    %dma_wait3A_678 = arith.constant 0 : i32
    %dma_wait3A_679 = arith.constant 0 : i32
    %dma_wait3A_680 = tpu.memref_slice %arg8[%dma_wait3A_674, %dma_wait3A_678, %dma_wait3A_679] : memref<8x2048x128xf32, #tpu.memory_space<vmem>> -> memref<1x2048x128xf32, #tpu.memory_space<vmem>>
    %dma_wait3A_681 = tpu.memref_squeeze %dma_wait3A_680 : memref<1x2048x128xf32, #tpu.memory_space<vmem>> -> memref<2048x128xf32, #tpu.memory_space<vmem>>
    %dma_wait3A_682 = arith.constant 8192 : i32
    %dma_wait3A_683 = arith.constant 0 : i32
    %dma_wait3A_684 = tpu.memref_slice %arg5[%dma_wait3A_682, %dma_wait3A_683] : memref<16384x128xf32, #tpu.memory_space<hbm>> -> memref<2048x128xf32, #tpu.memory_space<hbm>>
    tpu.wait_dma2 semaphore(%dma_wait3A_677 : memref<!tpu.dma_semaphore, #tpu.memory_space<semaphore_mem>>) src(%dma_wait3A_684 : memref<2048x128xf32, #tpu.memory_space<hbm>>) dst(%dma_wait3A_681 : memref<2048x128xf32, #tpu.memory_space<vmem>>)
    %get3A_685 = arith.constant 4 : index
    %get3A_686 = arith.constant 0 : index
    %get3A_687 = arith.constant 0 : index
    %get3A_688 = vector.load %arg8[%get3A_685, %get3A_686, %get3A_687] : memref<8x2048x128xf32, #tpu.memory_space<vmem>>, vector<1x2048x128xf32>
    %get3A_689 = vector.shape_cast %get3A_688 : vector<1x2048x128xf32> to vector<2048x128xf32>
    %get3A_690 = arith.constant 16 : index
    %get3A_691 = memref.load %arg1[%get3A_690] : memref<32xi32, #tpu.memory_space<smem>>
    %add3A_692 = arith.constant 0 : i32
    %add3A_693 = arith.addi %add3A_692, %get3A_691 : i32
    %eq3A_694 = vector.broadcast %add3A_693 : i32 to vector<2048x1xi32>
    %eq3A_695 = arith.cmpi eq, %iota3A, %eq3A_694 : vector<2048x1xi32>
    %get3A_696 = arith.constant 16 : index
    %get3A_697 = arith.constant 0 : index
    %get3A_698 = vector.load %arg2[%get3A_696, %get3A_697] : memref<32x128xf32, #tpu.memory_space<vmem>>, vector<1x128xf32>
    %get3A_699 = vector.shape_cast %get3A_698 : vector<1x128xf32> to vector<128xf32>
    %broadcast_in_dim3A_700 = vector.shape_cast %eq3A_695 : vector<2048x1xi1> to vector<2048x1xi1>
    %broadcast_in_dim3A_701 = vector.broadcast %broadcast_in_dim3A_700 : vector<2048x1xi1> to vector<2048x128xi1>
    %broadcast_in_dim3A_702 = vector.shape_cast %get3A_699 : vector<128xf32> to vector<1x128xf32>
    %broadcast_in_dim3A_703 = vector.broadcast %broadcast_in_dim3A_702 : vector<1x128xf32> to vector<2048x128xf32>
    %select_n3A_704 = arith.select %broadcast_in_dim3A_701, %broadcast_in_dim3A_703, %get3A_689 : vector<2048x128xi1>, vector<2048x128xf32>
    %get3A_705 = arith.constant 17 : index
    %get3A_706 = memref.load %arg1[%get3A_705] : memref<32xi32, #tpu.memory_space<smem>>
    %add3A_707 = arith.constant 512 : i32
    %add3A_708 = arith.addi %add3A_707, %get3A_706 : i32
    %eq3A_709 = vector.broadcast %add3A_708 : i32 to vector<2048x1xi32>
    %eq3A_710 = arith.cmpi eq, %iota3A, %eq3A_709 : vector<2048x1xi32>
    %get3A_711 = arith.constant 17 : index
    %get3A_712 = arith.constant 0 : index
    %get3A_713 = vector.load %arg2[%get3A_711, %get3A_712] : memref<32x128xf32, #tpu.memory_space<vmem>>, vector<1x128xf32>
    %get3A_714 = vector.shape_cast %get3A_713 : vector<1x128xf32> to vector<128xf32>
    %broadcast_in_dim3A_715 = vector.shape_cast %eq3A_710 : vector<2048x1xi1> to vector<2048x1xi1>
    %broadcast_in_dim3A_716 = vector.broadcast %broadcast_in_dim3A_715 : vector<2048x1xi1> to vector<2048x128xi1>
    %broadcast_in_dim3A_717 = vector.shape_cast %get3A_714 : vector<128xf32> to vector<1x128xf32>
    %broadcast_in_dim3A_718 = vector.broadcast %broadcast_in_dim3A_717 : vector<1x128xf32> to vector<2048x128xf32>
    %select_n3A_719 = arith.select %broadcast_in_dim3A_716, %broadcast_in_dim3A_718, %select_n3A_704 : vector<2048x128xi1>, vector<2048x128xf32>
    %get3A_720 = arith.constant 18 : index
    %get3A_721 = memref.load %arg1[%get3A_720] : memref<32xi32, #tpu.memory_space<smem>>
    %add3A_722 = arith.constant 1024 : i32
    %add3A_723 = arith.addi %add3A_722, %get3A_721 : i32
    %eq3A_724 = vector.broadcast %add3A_723 : i32 to vector<2048x1xi32>
    %eq3A_725 = arith.cmpi eq, %iota3A, %eq3A_724 : vector<2048x1xi32>
    %get3A_726 = arith.constant 18 : index
    %get3A_727 = arith.constant 0 : index
    %get3A_728 = vector.load %arg2[%get3A_726, %get3A_727] : memref<32x128xf32, #tpu.memory_space<vmem>>, vector<1x128xf32>
    %get3A_729 = vector.shape_cast %get3A_728 : vector<1x128xf32> to vector<128xf32>
    %broadcast_in_dim3A_730 = vector.shape_cast %eq3A_725 : vector<2048x1xi1> to vector<2048x1xi1>
    %broadcast_in_dim3A_731 = vector.broadcast %broadcast_in_dim3A_730 : vector<2048x1xi1> to vector<2048x128xi1>
    %broadcast_in_dim3A_732 = vector.shape_cast %get3A_729 : vector<128xf32> to vector<1x128xf32>
    %broadcast_in_dim3A_733 = vector.broadcast %broadcast_in_dim3A_732 : vector<1x128xf32> to vector<2048x128xf32>
    %select_n3A_734 = arith.select %broadcast_in_dim3A_731, %broadcast_in_dim3A_733, %select_n3A_719 : vector<2048x128xi1>, vector<2048x128xf32>
    %get3A_735 = arith.constant 19 : index
    %get3A_736 = memref.load %arg1[%get3A_735] : memref<32xi32, #tpu.memory_space<smem>>
    %add3A_737 = arith.constant 1536 : i32
    %add3A_738 = arith.addi %add3A_737, %get3A_736 : i32
    %eq3A_739 = vector.broadcast %add3A_738 : i32 to vector<2048x1xi32>
    %eq3A_740 = arith.cmpi eq, %iota3A, %eq3A_739 : vector<2048x1xi32>
    %get3A_741 = arith.constant 19 : index
    %get3A_742 = arith.constant 0 : index
    %get3A_743 = vector.load %arg2[%get3A_741, %get3A_742] : memref<32x128xf32, #tpu.memory_space<vmem>>, vector<1x128xf32>
    %get3A_744 = vector.shape_cast %get3A_743 : vector<1x128xf32> to vector<128xf32>
    %broadcast_in_dim3A_745 = vector.shape_cast %eq3A_740 : vector<2048x1xi1> to vector<2048x1xi1>
    %broadcast_in_dim3A_746 = vector.broadcast %broadcast_in_dim3A_745 : vector<2048x1xi1> to vector<2048x128xi1>
    %broadcast_in_dim3A_747 = vector.shape_cast %get3A_744 : vector<128xf32> to vector<1x128xf32>
    %broadcast_in_dim3A_748 = vector.broadcast %broadcast_in_dim3A_747 : vector<1x128xf32> to vector<2048x128xf32>
    %select_n3A_749 = arith.select %broadcast_in_dim3A_746, %broadcast_in_dim3A_748, %select_n3A_734 : vector<2048x128xi1>, vector<2048x128xf32>
    %swap3A_750 = arith.constant 4 : index
    %swap3A_751 = arith.constant 0 : index
    %swap3A_752 = arith.constant 0 : index
    %swap3A_753 = vector.load %arg8[%swap3A_750, %swap3A_751, %swap3A_752] : memref<8x2048x128xf32, #tpu.memory_space<vmem>>, vector<1x2048x128xf32>
    %swap3A_754 = vector.shape_cast %swap3A_753 : vector<1x2048x128xf32> to vector<2048x128xf32>
    %swap3A_755 = vector.shape_cast %select_n3A_749 : vector<2048x128xf32> to vector<1x2048x128xf32>
    tpu.vector_store %arg8[%swap3A_750, %swap3A_751, %swap3A_752], %swap3A_755 {strides = array<i32>} : memref<8x2048x128xf32, #tpu.memory_space<vmem>>, vector<1x2048x128xf32>,
    %dma_start3A_756 = arith.constant 4 : i32
    %dma_start3A_757 = arith.constant 4 : i32
    %dma_start3A_758 = tpu.memref_slice %arg10[%dma_start3A_757] : memref<8x!tpu.dma_semaphore, #tpu.memory_space<semaphore_mem>> -> memref<1x!tpu.dma_semaphore, #tpu.memory_space<semaphore_mem>>
    %dma_start3A_759 = tpu.memref_squeeze %dma_start3A_758 : memref<1x!tpu.dma_semaphore, #tpu.memory_space<semaphore_mem>> -> memref<!tpu.dma_semaphore, #tpu.memory_space<semaphore_mem>>
    %dma_start3A_760 = arith.constant 8192 : i32
    %dma_start3A_761 = arith.constant 0 : i32
    %dma_start3A_762 = tpu.memref_slice %arg7[%dma_start3A_760, %dma_start3A_761] : memref<16384x128xf32, #tpu.memory_space<hbm>> -> memref<2048x128xf32, #tpu.memory_space<hbm>>
    %dma_start3A_763 = arith.constant 0 : i32
    %dma_start3A_764 = arith.constant 0 : i32
    %dma_start3A_765 = tpu.memref_slice %arg8[%dma_start3A_756, %dma_start3A_763, %dma_start3A_764] : memref<8x2048x128xf32, #tpu.memory_space<vmem>> -> memref<1x2048x128xf32, #tpu.memory_space<vmem>>
    %dma_start3A_766 = tpu.memref_squeeze %dma_start3A_765 : memref<1x2048x128xf32, #tpu.memory_space<vmem>> -> memref<2048x128xf32, #tpu.memory_space<vmem>>
    tpu.enqueue_dma source(%dma_start3A_766 : memref<2048x128xf32, #tpu.memory_space<vmem>>) target(%dma_start3A_762 : memref<2048x128xf32, #tpu.memory_space<hbm>>) target_semaphore(%dma_start3A_759 : memref<!tpu.dma_semaphore, #tpu.memory_space<semaphore_mem>>)
    %get3A_767 = arith.constant 16 : index
    %get3A_768 = arith.constant 0 : index
    %get3A_769 = vector.load %arg4[%get3A_767, %get3A_768] : memref<64x512xf32, #tpu.memory_space<vmem>>, vector<4x512xf32>
    %get3A_770 = arith.constant 48 : index
    %get3A_771 = arith.constant 0 : index
    %get3A_772 = vector.load %arg4[%get3A_770, %get3A_771] : memref<64x512xf32, #tpu.memory_space<vmem>>, vector<4x512xf32>
    %mul3A_773 = arith.mulf %get3A_769, %get3A_772 : vector<4x512xf32>
    %slice3A_774 = vector.extract_strided_slice %mul3A_773 {offsets = [0, 0], sizes = [1, 512], strides = [1, 1]} : vector<4x512xf32> to vector<1x512xf32>
    %squeeze3A_775 = vector.shape_cast %slice3A_774 : vector<1x512xf32> to vector<512xf32>
    %broadcast_in_dim3A_776 = vector.shape_cast %squeeze3A_775 : vector<512xf32> to vector<1x512xf32>
    %get3A_777 = arith.constant 4 : index
    %get3A_778 = arith.constant 0 : index
    %get3A_779 = arith.constant 0 : index
    %get3A_780 = vector.load %arg8[%get3A_777, %get3A_778, %get3A_779] : memref<8x2048x128xf32, #tpu.memory_space<vmem>>, vector<1x512x128xf32>
    %get3A_781 = vector.shape_cast %get3A_780 : vector<1x512x128xf32> to vector<512x128xf32>
    %dot_general3A_782 = arith.constant dense<0.000000e+00> : vector<1x128xf32>
    %dot_general3A_783 = tpu.matmul %broadcast_in_dim3A_776, %get3A_781, %dot_general3A_782 {dimension_numbers = #tpu.dot_dimension_numbers<[1], [0], [0], [1], [0, 0, 1, 1], [], []>, transpose_lhs_hint = false} : vector<1x512xf32>, vector<512x128xf32>, vector<1x128xf32> -> vector<1x128xf32>
    %slice3A_784 = vector.extract_strided_slice %mul3A_773 {offsets = [1, 0], sizes = [1, 512], strides = [1, 1]} : vector<4x512xf32> to vector<1x512xf32>
    %squeeze3A_785 = vector.shape_cast %slice3A_784 : vector<1x512xf32> to vector<512xf32>
    %broadcast_in_dim3A_786 = vector.shape_cast %squeeze3A_785 : vector<512xf32> to vector<1x512xf32>
    %get3A_787 = arith.constant 4 : index
    %get3A_788 = arith.constant 512 : index
    %get3A_789 = arith.constant 0 : index
    %get3A_790 = vector.load %arg8[%get3A_787, %get3A_788, %get3A_789] : memref<8x2048x128xf32, #tpu.memory_space<vmem>>, vector<1x512x128xf32>
    %get3A_791 = vector.shape_cast %get3A_790 : vector<1x512x128xf32> to vector<512x128xf32>
    %dot_general3A_792 = arith.constant dense<0.000000e+00> : vector<1x128xf32>
    %dot_general3A_793 = tpu.matmul %broadcast_in_dim3A_786, %get3A_791, %dot_general3A_792 {dimension_numbers = #tpu.dot_dimension_numbers<[1], [0], [0], [1], [0, 0, 1, 1], [], []>, transpose_lhs_hint = false} : vector<1x512xf32>, vector<512x128xf32>, vector<1x128xf32> -> vector<1x128xf32>
    %slice3A_794 = vector.extract_strided_slice %mul3A_773 {offsets = [2, 0], sizes = [1, 512], strides = [1, 1]} : vector<4x512xf32> to vector<1x512xf32>
    %squeeze3A_795 = vector.shape_cast %slice3A_794 : vector<1x512xf32> to vector<512xf32>
    %broadcast_in_dim3A_796 = vector.shape_cast %squeeze3A_795 : vector<512xf32> to vector<1x512xf32>
    %get3A_797 = arith.constant 4 : index
    %get3A_798 = arith.constant 1024 : index
    %get3A_799 = arith.constant 0 : index
    %get3A_800 = vector.load %arg8[%get3A_797, %get3A_798, %get3A_799] : memref<8x2048x128xf32, #tpu.memory_space<vmem>>, vector<1x512x128xf32>
    %get3A_801 = vector.shape_cast %get3A_800 : vector<1x512x128xf32> to vector<512x128xf32>
    %dot_general3A_802 = arith.constant dense<0.000000e+00> : vector<1x128xf32>
    %dot_general3A_803 = tpu.matmul %broadcast_in_dim3A_796, %get3A_801, %dot_general3A_802 {dimension_numbers = #tpu.dot_dimension_numbers<[1], [0], [0], [1], [0, 0, 1, 1], [], []>, transpose_lhs_hint = false} : vector<1x512xf32>, vector<512x128xf32>, vector<1x128xf32> -> vector<1x128xf32>
    %slice3A_804 = vector.extract_strided_slice %mul3A_773 {offsets = [3, 0], sizes = [1, 512], strides = [1, 1]} : vector<4x512xf32> to vector<1x512xf32>
    %squeeze3A_805 = vector.shape_cast %slice3A_804 : vector<1x512xf32> to vector<512xf32>
    %broadcast_in_dim3A_806 = vector.shape_cast %squeeze3A_805 : vector<512xf32> to vector<1x512xf32>
    %get3A_807 = arith.constant 4 : index
    %get3A_808 = arith.constant 1536 : index
    %get3A_809 = arith.constant 0 : index
    %get3A_810 = vector.load %arg8[%get3A_807, %get3A_808, %get3A_809] : memref<8x2048x128xf32, #tpu.memory_space<vmem>>, vector<1x512x128xf32>
    %get3A_811 = vector.shape_cast %get3A_810 : vector<1x512x128xf32> to vector<512x128xf32>
    %dot_general3A_812 = arith.constant dense<0.000000e+00> : vector<1x128xf32>
    %dot_general3A_813 = tpu.matmul %broadcast_in_dim3A_806, %get3A_811, %dot_general3A_812 {dimension_numbers = #tpu.dot_dimension_numbers<[1], [0], [0], [1], [0, 0, 1, 1], [], []>, transpose_lhs_hint = false} : vector<1x512xf32>, vector<512x128xf32>, vector<1x128xf32> -> vector<1x128xf32>
    %concatenate3A_814 = tpu.concatenate %dot_general3A_783, %dot_general3A_793, %dot_general3A_803, %dot_general3A_813 in 0 : vector<1x128xf32>, vector<1x128xf32>, vector<1x128xf32>, vector<1x128xf32> -> vector<4x128xf32>
    %get3A_815 = arith.constant 0 : index
    %get3A_816 = arith.constant 0 : index
    %get3A_817 = vector.load %arg3[%get3A_815, %get3A_816] : memref<128x128xf32, #tpu.memory_space<vmem>>, vector<128x128xf32>
    %dot_general3A_818 = arith.constant dense<0.000000e+00> : vector<4x128xf32>
    %dot_general3A_819 = tpu.matmul %concatenate3A_814, %get3A_817, %dot_general3A_818 {dimension_numbers = #tpu.dot_dimension_numbers<[1], [0], [0], [1], [0, 0, 1, 1], [], []>, transpose_lhs_hint = false} : vector<4x128xf32>, vector<128x128xf32>, vector<4x128xf32> -> vector<4x128xf32>
    %tanh3A_820 = math.tanh %dot_general3A_819 : vector<4x128xf32>
    %swap3A_821 = arith.constant 16 : index
    %swap3A_822 = arith.constant 0 : index
    %swap3A_823 = vector.load %arg6[%swap3A_821, %swap3A_822] : memref<32x128xf32, #tpu.memory_space<vmem>>, vector<4x128xf32>
    tpu.vector_store %arg6[%swap3A_821, %swap3A_822], %tanh3A_820 {strides = array<i32>} : memref<32x128xf32, #tpu.memory_space<vmem>>, vector<4x128xf32>,
    %dma_wait3A_824 = arith.constant 5 : i32
    %dma_wait3A_825 = arith.constant 5 : i32
    %dma_wait3A_826 = tpu.memref_slice %arg9[%dma_wait3A_825] : memref<8x!tpu.dma_semaphore, #tpu.memory_space<semaphore_mem>> -> memref<1x!tpu.dma_semaphore, #tpu.memory_space<semaphore_mem>>
    %dma_wait3A_827 = tpu.memref_squeeze %dma_wait3A_826 : memref<1x!tpu.dma_semaphore, #tpu.memory_space<semaphore_mem>> -> memref<!tpu.dma_semaphore, #tpu.memory_space<semaphore_mem>>
    %dma_wait3A_828 = arith.constant 0 : i32
    %dma_wait3A_829 = arith.constant 0 : i32
    %dma_wait3A_830 = tpu.memref_slice %arg8[%dma_wait3A_824, %dma_wait3A_828, %dma_wait3A_829] : memref<8x2048x128xf32, #tpu.memory_space<vmem>> -> memref<1x2048x128xf32, #tpu.memory_space<vmem>>
    %dma_wait3A_831 = tpu.memref_squeeze %dma_wait3A_830 : memref<1x2048x128xf32, #tpu.memory_space<vmem>> -> memref<2048x128xf32, #tpu.memory_space<vmem>>
    %dma_wait3A_832 = arith.constant 10240 : i32
    %dma_wait3A_833 = arith.constant 0 : i32
    %dma_wait3A_834 = tpu.memref_slice %arg5[%dma_wait3A_832, %dma_wait3A_833] : memref<16384x128xf32, #tpu.memory_space<hbm>> -> memref<2048x128xf32, #tpu.memory_space<hbm>>
    tpu.wait_dma2 semaphore(%dma_wait3A_827 : memref<!tpu.dma_semaphore, #tpu.memory_space<semaphore_mem>>) src(%dma_wait3A_834 : memref<2048x128xf32, #tpu.memory_space<hbm>>) dst(%dma_wait3A_831 : memref<2048x128xf32, #tpu.memory_space<vmem>>)
    %get3A_835 = arith.constant 5 : index
    %get3A_836 = arith.constant 0 : index
    %get3A_837 = arith.constant 0 : index
    %get3A_838 = vector.load %arg8[%get3A_835, %get3A_836, %get3A_837] : memref<8x2048x128xf32, #tpu.memory_space<vmem>>, vector<1x2048x128xf32>
    %get3A_839 = vector.shape_cast %get3A_838 : vector<1x2048x128xf32> to vector<2048x128xf32>
    %get3A_840 = arith.constant 20 : index
    %get3A_841 = memref.load %arg1[%get3A_840] : memref<32xi32, #tpu.memory_space<smem>>
    %add3A_842 = arith.constant 0 : i32
    %add3A_843 = arith.addi %add3A_842, %get3A_841 : i32
    %eq3A_844 = vector.broadcast %add3A_843 : i32 to vector<2048x1xi32>
    %eq3A_845 = arith.cmpi eq, %iota3A, %eq3A_844 : vector<2048x1xi32>
    %get3A_846 = arith.constant 20 : index
    %get3A_847 = arith.constant 0 : index
    %get3A_848 = vector.load %arg2[%get3A_846, %get3A_847] : memref<32x128xf32, #tpu.memory_space<vmem>>, vector<1x128xf32>
    %get3A_849 = vector.shape_cast %get3A_848 : vector<1x128xf32> to vector<128xf32>
    %broadcast_in_dim3A_850 = vector.shape_cast %eq3A_845 : vector<2048x1xi1> to vector<2048x1xi1>
    %broadcast_in_dim3A_851 = vector.broadcast %broadcast_in_dim3A_850 : vector<2048x1xi1> to vector<2048x128xi1>
    %broadcast_in_dim3A_852 = vector.shape_cast %get3A_849 : vector<128xf32> to vector<1x128xf32>
    %broadcast_in_dim3A_853 = vector.broadcast %broadcast_in_dim3A_852 : vector<1x128xf32> to vector<2048x128xf32>
    %select_n3A_854 = arith.select %broadcast_in_dim3A_851, %broadcast_in_dim3A_853, %get3A_839 : vector<2048x128xi1>, vector<2048x128xf32>
    %get3A_855 = arith.constant 21 : index
    %get3A_856 = memref.load %arg1[%get3A_855] : memref<32xi32, #tpu.memory_space<smem>>
    %add3A_857 = arith.constant 512 : i32
    %add3A_858 = arith.addi %add3A_857, %get3A_856 : i32
    %eq3A_859 = vector.broadcast %add3A_858 : i32 to vector<2048x1xi32>
    %eq3A_860 = arith.cmpi eq, %iota3A, %eq3A_859 : vector<2048x1xi32>
    %get3A_861 = arith.constant 21 : index
    %get3A_862 = arith.constant 0 : index
    %get3A_863 = vector.load %arg2[%get3A_861, %get3A_862] : memref<32x128xf32, #tpu.memory_space<vmem>>, vector<1x128xf32>
    %get3A_864 = vector.shape_cast %get3A_863 : vector<1x128xf32> to vector<128xf32>
    %broadcast_in_dim3A_865 = vector.shape_cast %eq3A_860 : vector<2048x1xi1> to vector<2048x1xi1>
    %broadcast_in_dim3A_866 = vector.broadcast %broadcast_in_dim3A_865 : vector<2048x1xi1> to vector<2048x128xi1>
    %broadcast_in_dim3A_867 = vector.shape_cast %get3A_864 : vector<128xf32> to vector<1x128xf32>
    %broadcast_in_dim3A_868 = vector.broadcast %broadcast_in_dim3A_867 : vector<1x128xf32> to vector<2048x128xf32>
    %select_n3A_869 = arith.select %broadcast_in_dim3A_866, %broadcast_in_dim3A_868, %select_n3A_854 : vector<2048x128xi1>, vector<2048x128xf32>
    %get3A_870 = arith.constant 22 : index
    %get3A_871 = memref.load %arg1[%get3A_870] : memref<32xi32, #tpu.memory_space<smem>>
    %add3A_872 = arith.constant 1024 : i32
    %add3A_873 = arith.addi %add3A_872, %get3A_871 : i32
    %eq3A_874 = vector.broadcast %add3A_873 : i32 to vector<2048x1xi32>
    %eq3A_875 = arith.cmpi eq, %iota3A, %eq3A_874 : vector<2048x1xi32>
    %get3A_876 = arith.constant 22 : index
    %get3A_877 = arith.constant 0 : index
    %get3A_878 = vector.load %arg2[%get3A_876, %get3A_877] : memref<32x128xf32, #tpu.memory_space<vmem>>, vector<1x128xf32>
    %get3A_879 = vector.shape_cast %get3A_878 : vector<1x128xf32> to vector<128xf32>
    %broadcast_in_dim3A_880 = vector.shape_cast %eq3A_875 : vector<2048x1xi1> to vector<2048x1xi1>
    %broadcast_in_dim3A_881 = vector.broadcast %broadcast_in_dim3A_880 : vector<2048x1xi1> to vector<2048x128xi1>
    %broadcast_in_dim3A_882 = vector.shape_cast %get3A_879 : vector<128xf32> to vector<1x128xf32>
    %broadcast_in_dim3A_883 = vector.broadcast %broadcast_in_dim3A_882 : vector<1x128xf32> to vector<2048x128xf32>
    %select_n3A_884 = arith.select %broadcast_in_dim3A_881, %broadcast_in_dim3A_883, %select_n3A_869 : vector<2048x128xi1>, vector<2048x128xf32>
    %get3A_885 = arith.constant 23 : index
    %get3A_886 = memref.load %arg1[%get3A_885] : memref<32xi32, #tpu.memory_space<smem>>
    %add3A_887 = arith.constant 1536 : i32
    %add3A_888 = arith.addi %add3A_887, %get3A_886 : i32
    %eq3A_889 = vector.broadcast %add3A_888 : i32 to vector<2048x1xi32>
    %eq3A_890 = arith.cmpi eq, %iota3A, %eq3A_889 : vector<2048x1xi32>
    %get3A_891 = arith.constant 23 : index
    %get3A_892 = arith.constant 0 : index
    %get3A_893 = vector.load %arg2[%get3A_891, %get3A_892] : memref<32x128xf32, #tpu.memory_space<vmem>>, vector<1x128xf32>
    %get3A_894 = vector.shape_cast %get3A_893 : vector<1x128xf32> to vector<128xf32>
    %broadcast_in_dim3A_895 = vector.shape_cast %eq3A_890 : vector<2048x1xi1> to vector<2048x1xi1>
    %broadcast_in_dim3A_896 = vector.broadcast %broadcast_in_dim3A_895 : vector<2048x1xi1> to vector<2048x128xi1>
    %broadcast_in_dim3A_897 = vector.shape_cast %get3A_894 : vector<128xf32> to vector<1x128xf32>
    %broadcast_in_dim3A_898 = vector.broadcast %broadcast_in_dim3A_897 : vector<1x128xf32> to vector<2048x128xf32>
    %select_n3A_899 = arith.select %broadcast_in_dim3A_896, %broadcast_in_dim3A_898, %select_n3A_884 : vector<2048x128xi1>, vector<2048x128xf32>
    %swap3A_900 = arith.constant 5 : index
    %swap3A_901 = arith.constant 0 : index
    %swap3A_902 = arith.constant 0 : index
    %swap3A_903 = vector.load %arg8[%swap3A_900, %swap3A_901, %swap3A_902] : memref<8x2048x128xf32, #tpu.memory_space<vmem>>, vector<1x2048x128xf32>
    %swap3A_904 = vector.shape_cast %swap3A_903 : vector<1x2048x128xf32> to vector<2048x128xf32>
    %swap3A_905 = vector.shape_cast %select_n3A_899 : vector<2048x128xf32> to vector<1x2048x128xf32>
    tpu.vector_store %arg8[%swap3A_900, %swap3A_901, %swap3A_902], %swap3A_905 {strides = array<i32>} : memref<8x2048x128xf32, #tpu.memory_space<vmem>>, vector<1x2048x128xf32>,
    %dma_start3A_906 = arith.constant 5 : i32
    %dma_start3A_907 = arith.constant 5 : i32
    %dma_start3A_908 = tpu.memref_slice %arg10[%dma_start3A_907] : memref<8x!tpu.dma_semaphore, #tpu.memory_space<semaphore_mem>> -> memref<1x!tpu.dma_semaphore, #tpu.memory_space<semaphore_mem>>
    %dma_start3A_909 = tpu.memref_squeeze %dma_start3A_908 : memref<1x!tpu.dma_semaphore, #tpu.memory_space<semaphore_mem>> -> memref<!tpu.dma_semaphore, #tpu.memory_space<semaphore_mem>>
    %dma_start3A_910 = arith.constant 10240 : i32
    %dma_start3A_911 = arith.constant 0 : i32
    %dma_start3A_912 = tpu.memref_slice %arg7[%dma_start3A_910, %dma_start3A_911] : memref<16384x128xf32, #tpu.memory_space<hbm>> -> memref<2048x128xf32, #tpu.memory_space<hbm>>
    %dma_start3A_913 = arith.constant 0 : i32
    %dma_start3A_914 = arith.constant 0 : i32
    %dma_start3A_915 = tpu.memref_slice %arg8[%dma_start3A_906, %dma_start3A_913, %dma_start3A_914] : memref<8x2048x128xf32, #tpu.memory_space<vmem>> -> memref<1x2048x128xf32, #tpu.memory_space<vmem>>
    %dma_start3A_916 = tpu.memref_squeeze %dma_start3A_915 : memref<1x2048x128xf32, #tpu.memory_space<vmem>> -> memref<2048x128xf32, #tpu.memory_space<vmem>>
    tpu.enqueue_dma source(%dma_start3A_916 : memref<2048x128xf32, #tpu.memory_space<vmem>>) target(%dma_start3A_912 : memref<2048x128xf32, #tpu.memory_space<hbm>>) target_semaphore(%dma_start3A_909 : memref<!tpu.dma_semaphore, #tpu.memory_space<semaphore_mem>>)
    %get3A_917 = arith.constant 20 : index
    %get3A_918 = arith.constant 0 : index
    %get3A_919 = vector.load %arg4[%get3A_917, %get3A_918] : memref<64x512xf32, #tpu.memory_space<vmem>>, vector<4x512xf32>
    %get3A_920 = arith.constant 52 : index
    %get3A_921 = arith.constant 0 : index
    %get3A_922 = vector.load %arg4[%get3A_920, %get3A_921] : memref<64x512xf32, #tpu.memory_space<vmem>>, vector<4x512xf32>
    %mul3A_923 = arith.mulf %get3A_919, %get3A_922 : vector<4x512xf32>
    %slice3A_924 = vector.extract_strided_slice %mul3A_923 {offsets = [0, 0], sizes = [1, 512], strides = [1, 1]} : vector<4x512xf32> to vector<1x512xf32>
    %squeeze3A_925 = vector.shape_cast %slice3A_924 : vector<1x512xf32> to vector<512xf32>
    %broadcast_in_dim3A_926 = vector.shape_cast %squeeze3A_925 : vector<512xf32> to vector<1x512xf32>
    %get3A_927 = arith.constant 5 : index
    %get3A_928 = arith.constant 0 : index
    %get3A_929 = arith.constant 0 : index
    %get3A_930 = vector.load %arg8[%get3A_927, %get3A_928, %get3A_929] : memref<8x2048x128xf32, #tpu.memory_space<vmem>>, vector<1x512x128xf32>
    %get3A_931 = vector.shape_cast %get3A_930 : vector<1x512x128xf32> to vector<512x128xf32>
    %dot_general3A_932 = arith.constant dense<0.000000e+00> : vector<1x128xf32>
    %dot_general3A_933 = tpu.matmul %broadcast_in_dim3A_926, %get3A_931, %dot_general3A_932 {dimension_numbers = #tpu.dot_dimension_numbers<[1], [0], [0], [1], [0, 0, 1, 1], [], []>, transpose_lhs_hint = false} : vector<1x512xf32>, vector<512x128xf32>, vector<1x128xf32> -> vector<1x128xf32>
    %slice3A_934 = vector.extract_strided_slice %mul3A_923 {offsets = [1, 0], sizes = [1, 512], strides = [1, 1]} : vector<4x512xf32> to vector<1x512xf32>
    %squeeze3A_935 = vector.shape_cast %slice3A_934 : vector<1x512xf32> to vector<512xf32>
    %broadcast_in_dim3A_936 = vector.shape_cast %squeeze3A_935 : vector<512xf32> to vector<1x512xf32>
    %get3A_937 = arith.constant 5 : index
    %get3A_938 = arith.constant 512 : index
    %get3A_939 = arith.constant 0 : index
    %get3A_940 = vector.load %arg8[%get3A_937, %get3A_938, %get3A_939] : memref<8x2048x128xf32, #tpu.memory_space<vmem>>, vector<1x512x128xf32>
    %get3A_941 = vector.shape_cast %get3A_940 : vector<1x512x128xf32> to vector<512x128xf32>
    %dot_general3A_942 = arith.constant dense<0.000000e+00> : vector<1x128xf32>
    %dot_general3A_943 = tpu.matmul %broadcast_in_dim3A_936, %get3A_941, %dot_general3A_942 {dimension_numbers = #tpu.dot_dimension_numbers<[1], [0], [0], [1], [0, 0, 1, 1], [], []>, transpose_lhs_hint = false} : vector<1x512xf32>, vector<512x128xf32>, vector<1x128xf32> -> vector<1x128xf32>
    %slice3A_944 = vector.extract_strided_slice %mul3A_923 {offsets = [2, 0], sizes = [1, 512], strides = [1, 1]} : vector<4x512xf32> to vector<1x512xf32>
    %squeeze3A_945 = vector.shape_cast %slice3A_944 : vector<1x512xf32> to vector<512xf32>
    %broadcast_in_dim3A_946 = vector.shape_cast %squeeze3A_945 : vector<512xf32> to vector<1x512xf32>
    %get3A_947 = arith.constant 5 : index
    %get3A_948 = arith.constant 1024 : index
    %get3A_949 = arith.constant 0 : index
    %get3A_950 = vector.load %arg8[%get3A_947, %get3A_948, %get3A_949] : memref<8x2048x128xf32, #tpu.memory_space<vmem>>, vector<1x512x128xf32>
    %get3A_951 = vector.shape_cast %get3A_950 : vector<1x512x128xf32> to vector<512x128xf32>
    %dot_general3A_952 = arith.constant dense<0.000000e+00> : vector<1x128xf32>
    %dot_general3A_953 = tpu.matmul %broadcast_in_dim3A_946, %get3A_951, %dot_general3A_952 {dimension_numbers = #tpu.dot_dimension_numbers<[1], [0], [0], [1], [0, 0, 1, 1], [], []>, transpose_lhs_hint = false} : vector<1x512xf32>, vector<512x128xf32>, vector<1x128xf32> -> vector<1x128xf32>
    %slice3A_954 = vector.extract_strided_slice %mul3A_923 {offsets = [3, 0], sizes = [1, 512], strides = [1, 1]} : vector<4x512xf32> to vector<1x512xf32>
    %squeeze3A_955 = vector.shape_cast %slice3A_954 : vector<1x512xf32> to vector<512xf32>
    %broadcast_in_dim3A_956 = vector.shape_cast %squeeze3A_955 : vector<512xf32> to vector<1x512xf32>
    %get3A_957 = arith.constant 5 : index
    %get3A_958 = arith.constant 1536 : index
    %get3A_959 = arith.constant 0 : index
    %get3A_960 = vector.load %arg8[%get3A_957, %get3A_958, %get3A_959] : memref<8x2048x128xf32, #tpu.memory_space<vmem>>, vector<1x512x128xf32>
    %get3A_961 = vector.shape_cast %get3A_960 : vector<1x512x128xf32> to vector<512x128xf32>
    %dot_general3A_962 = arith.constant dense<0.000000e+00> : vector<1x128xf32>
    %dot_general3A_963 = tpu.matmul %broadcast_in_dim3A_956, %get3A_961, %dot_general3A_962 {dimension_numbers = #tpu.dot_dimension_numbers<[1], [0], [0], [1], [0, 0, 1, 1], [], []>, transpose_lhs_hint = false} : vector<1x512xf32>, vector<512x128xf32>, vector<1x128xf32> -> vector<1x128xf32>
    %concatenate3A_964 = tpu.concatenate %dot_general3A_933, %dot_general3A_943, %dot_general3A_953, %dot_general3A_963 in 0 : vector<1x128xf32>, vector<1x128xf32>, vector<1x128xf32>, vector<1x128xf32> -> vector<4x128xf32>
    %get3A_965 = arith.constant 0 : index
    %get3A_966 = arith.constant 0 : index
    %get3A_967 = vector.load %arg3[%get3A_965, %get3A_966] : memref<128x128xf32, #tpu.memory_space<vmem>>, vector<128x128xf32>
    %dot_general3A_968 = arith.constant dense<0.000000e+00> : vector<4x128xf32>
    %dot_general3A_969 = tpu.matmul %concatenate3A_964, %get3A_967, %dot_general3A_968 {dimension_numbers = #tpu.dot_dimension_numbers<[1], [0], [0], [1], [0, 0, 1, 1], [], []>, transpose_lhs_hint = false} : vector<4x128xf32>, vector<128x128xf32>, vector<4x128xf32> -> vector<4x128xf32>
    %tanh3A_970 = math.tanh %dot_general3A_969 : vector<4x128xf32>
    %swap3A_971 = arith.constant 20 : index
    %swap3A_972 = arith.constant 0 : index
    %swap3A_973 = vector.load %arg6[%swap3A_971, %swap3A_972] : memref<32x128xf32, #tpu.memory_space<vmem>>, vector<4x128xf32>
    tpu.vector_store %arg6[%swap3A_971, %swap3A_972], %tanh3A_970 {strides = array<i32>} : memref<32x128xf32, #tpu.memory_space<vmem>>, vector<4x128xf32>,
    %dma_wait3A_974 = arith.constant 6 : i32
    %dma_wait3A_975 = arith.constant 6 : i32
    %dma_wait3A_976 = tpu.memref_slice %arg9[%dma_wait3A_975] : memref<8x!tpu.dma_semaphore, #tpu.memory_space<semaphore_mem>> -> memref<1x!tpu.dma_semaphore, #tpu.memory_space<semaphore_mem>>
    %dma_wait3A_977 = tpu.memref_squeeze %dma_wait3A_976 : memref<1x!tpu.dma_semaphore, #tpu.memory_space<semaphore_mem>> -> memref<!tpu.dma_semaphore, #tpu.memory_space<semaphore_mem>>
    %dma_wait3A_978 = arith.constant 0 : i32
    %dma_wait3A_979 = arith.constant 0 : i32
    %dma_wait3A_980 = tpu.memref_slice %arg8[%dma_wait3A_974, %dma_wait3A_978, %dma_wait3A_979] : memref<8x2048x128xf32, #tpu.memory_space<vmem>> -> memref<1x2048x128xf32, #tpu.memory_space<vmem>>
    %dma_wait3A_981 = tpu.memref_squeeze %dma_wait3A_980 : memref<1x2048x128xf32, #tpu.memory_space<vmem>> -> memref<2048x128xf32, #tpu.memory_space<vmem>>
    %dma_wait3A_982 = arith.constant 12288 : i32
    %dma_wait3A_983 = arith.constant 0 : i32
    %dma_wait3A_984 = tpu.memref_slice %arg5[%dma_wait3A_982, %dma_wait3A_983] : memref<16384x128xf32, #tpu.memory_space<hbm>> -> memref<2048x128xf32, #tpu.memory_space<hbm>>
    tpu.wait_dma2 semaphore(%dma_wait3A_977 : memref<!tpu.dma_semaphore, #tpu.memory_space<semaphore_mem>>) src(%dma_wait3A_984 : memref<2048x128xf32, #tpu.memory_space<hbm>>) dst(%dma_wait3A_981 : memref<2048x128xf32, #tpu.memory_space<vmem>>)
    %get3A_985 = arith.constant 6 : index
    %get3A_986 = arith.constant 0 : index
    %get3A_987 = arith.constant 0 : index
    %get3A_988 = vector.load %arg8[%get3A_985, %get3A_986, %get3A_987] : memref<8x2048x128xf32, #tpu.memory_space<vmem>>, vector<1x2048x128xf32>
    %get3A_989 = vector.shape_cast %get3A_988 : vector<1x2048x128xf32> to vector<2048x128xf32>
    %get3A_990 = arith.constant 24 : index
    %get3A_991 = memref.load %arg1[%get3A_990] : memref<32xi32, #tpu.memory_space<smem>>
    %add3A_992 = arith.constant 0 : i32
    %add3A_993 = arith.addi %add3A_992, %get3A_991 : i32
    %eq3A_994 = vector.broadcast %add3A_993 : i32 to vector<2048x1xi32>
    %eq3A_995 = arith.cmpi eq, %iota3A, %eq3A_994 : vector<2048x1xi32>
    %get3A_996 = arith.constant 24 : index
    %get3A_997 = arith.constant 0 : index
    %get3A_998 = vector.load %arg2[%get3A_996, %get3A_997] : memref<32x128xf32, #tpu.memory_space<vmem>>, vector<1x128xf32>
    %get3A_999 = vector.shape_cast %get3A_998 : vector<1x128xf32> to vector<128xf32>
    %broadcast_in_dim3A_1000 = vector.shape_cast %eq3A_995 : vector<2048x1xi1> to vector<2048x1xi1>
    %broadcast_in_dim3A_1001 = vector.broadcast %broadcast_in_dim3A_1000 : vector<2048x1xi1> to vector<2048x128xi1>
    %broadcast_in_dim3A_1002 = vector.shape_cast %get3A_999 : vector<128xf32> to vector<1x128xf32>
    %broadcast_in_dim3A_1003 = vector.broadcast %broadcast_in_dim3A_1002 : vector<1x128xf32> to vector<2048x128xf32>
    %select_n3A_1004 = arith.select %broadcast_in_dim3A_1001, %broadcast_in_dim3A_1003, %get3A_989 : vector<2048x128xi1>, vector<2048x128xf32>
    %get3A_1005 = arith.constant 25 : index
    %get3A_1006 = memref.load %arg1[%get3A_1005] : memref<32xi32, #tpu.memory_space<smem>>
    %add3A_1007 = arith.constant 512 : i32
    %add3A_1008 = arith.addi %add3A_1007, %get3A_1006 : i32
    %eq3A_1009 = vector.broadcast %add3A_1008 : i32 to vector<2048x1xi32>
    %eq3A_1010 = arith.cmpi eq, %iota3A, %eq3A_1009 : vector<2048x1xi32>
    %get3A_1011 = arith.constant 25 : index
    %get3A_1012 = arith.constant 0 : index
    %get3A_1013 = vector.load %arg2[%get3A_1011, %get3A_1012] : memref<32x128xf32, #tpu.memory_space<vmem>>, vector<1x128xf32>
    %get3A_1014 = vector.shape_cast %get3A_1013 : vector<1x128xf32> to vector<128xf32>
    %broadcast_in_dim3A_1015 = vector.shape_cast %eq3A_1010 : vector<2048x1xi1> to vector<2048x1xi1>
    %broadcast_in_dim3A_1016 = vector.broadcast %broadcast_in_dim3A_1015 : vector<2048x1xi1> to vector<2048x128xi1>
    %broadcast_in_dim3A_1017 = vector.shape_cast %get3A_1014 : vector<128xf32> to vector<1x128xf32>
    %broadcast_in_dim3A_1018 = vector.broadcast %broadcast_in_dim3A_1017 : vector<1x128xf32> to vector<2048x128xf32>
    %select_n3A_1019 = arith.select %broadcast_in_dim3A_1016, %broadcast_in_dim3A_1018, %select_n3A_1004 : vector<2048x128xi1>, vector<2048x128xf32>
    %get3A_1020 = arith.constant 26 : index
    %get3A_1021 = memref.load %arg1[%get3A_1020] : memref<32xi32, #tpu.memory_space<smem>>
    %add3A_1022 = arith.constant 1024 : i32
    %add3A_1023 = arith.addi %add3A_1022, %get3A_1021 : i32
    %eq3A_1024 = vector.broadcast %add3A_1023 : i32 to vector<2048x1xi32>
    %eq3A_1025 = arith.cmpi eq, %iota3A, %eq3A_1024 : vector<2048x1xi32>
    %get3A_1026 = arith.constant 26 : index
    %get3A_1027 = arith.constant 0 : index
    %get3A_1028 = vector.load %arg2[%get3A_1026, %get3A_1027] : memref<32x128xf32, #tpu.memory_space<vmem>>, vector<1x128xf32>
    %get3A_1029 = vector.shape_cast %get3A_1028 : vector<1x128xf32> to vector<128xf32>
    %broadcast_in_dim3A_1030 = vector.shape_cast %eq3A_1025 : vector<2048x1xi1> to vector<2048x1xi1>
    %broadcast_in_dim3A_1031 = vector.broadcast %broadcast_in_dim3A_1030 : vector<2048x1xi1> to vector<2048x128xi1>
    %broadcast_in_dim3A_1032 = vector.shape_cast %get3A_1029 : vector<128xf32> to vector<1x128xf32>
    %broadcast_in_dim3A_1033 = vector.broadcast %broadcast_in_dim3A_1032 : vector<1x128xf32> to vector<2048x128xf32>
    %select_n3A_1034 = arith.select %broadcast_in_dim3A_1031, %broadcast_in_dim3A_1033, %select_n3A_1019 : vector<2048x128xi1>, vector<2048x128xf32>
    %get3A_1035 = arith.constant 27 : index
    %get3A_1036 = memref.load %arg1[%get3A_1035] : memref<32xi32, #tpu.memory_space<smem>>
    %add3A_1037 = arith.constant 1536 : i32
    %add3A_1038 = arith.addi %add3A_1037, %get3A_1036 : i32
    %eq3A_1039 = vector.broadcast %add3A_1038 : i32 to vector<2048x1xi32>
    %eq3A_1040 = arith.cmpi eq, %iota3A, %eq3A_1039 : vector<2048x1xi32>
    %get3A_1041 = arith.constant 27 : index
    %get3A_1042 = arith.constant 0 : index
    %get3A_1043 = vector.load %arg2[%get3A_1041, %get3A_1042] : memref<32x128xf32, #tpu.memory_space<vmem>>, vector<1x128xf32>
    %get3A_1044 = vector.shape_cast %get3A_1043 : vector<1x128xf32> to vector<128xf32>
    %broadcast_in_dim3A_1045 = vector.shape_cast %eq3A_1040 : vector<2048x1xi1> to vector<2048x1xi1>
    %broadcast_in_dim3A_1046 = vector.broadcast %broadcast_in_dim3A_1045 : vector<2048x1xi1> to vector<2048x128xi1>
    %broadcast_in_dim3A_1047 = vector.shape_cast %get3A_1044 : vector<128xf32> to vector<1x128xf32>
    %broadcast_in_dim3A_1048 = vector.broadcast %broadcast_in_dim3A_1047 : vector<1x128xf32> to vector<2048x128xf32>
    %select_n3A_1049 = arith.select %broadcast_in_dim3A_1046, %broadcast_in_dim3A_1048, %select_n3A_1034 : vector<2048x128xi1>, vector<2048x128xf32>
    %swap3A_1050 = arith.constant 6 : index
    %swap3A_1051 = arith.constant 0 : index
    %swap3A_1052 = arith.constant 0 : index
    %swap3A_1053 = vector.load %arg8[%swap3A_1050, %swap3A_1051, %swap3A_1052] : memref<8x2048x128xf32, #tpu.memory_space<vmem>>, vector<1x2048x128xf32>
    %swap3A_1054 = vector.shape_cast %swap3A_1053 : vector<1x2048x128xf32> to vector<2048x128xf32>
    %swap3A_1055 = vector.shape_cast %select_n3A_1049 : vector<2048x128xf32> to vector<1x2048x128xf32>
    tpu.vector_store %arg8[%swap3A_1050, %swap3A_1051, %swap3A_1052], %swap3A_1055 {strides = array<i32>} : memref<8x2048x128xf32, #tpu.memory_space<vmem>>, vector<1x2048x128xf32>,
    %dma_start3A_1056 = arith.constant 6 : i32
    %dma_start3A_1057 = arith.constant 6 : i32
    %dma_start3A_1058 = tpu.memref_slice %arg10[%dma_start3A_1057] : memref<8x!tpu.dma_semaphore, #tpu.memory_space<semaphore_mem>> -> memref<1x!tpu.dma_semaphore, #tpu.memory_space<semaphore_mem>>
    %dma_start3A_1059 = tpu.memref_squeeze %dma_start3A_1058 : memref<1x!tpu.dma_semaphore, #tpu.memory_space<semaphore_mem>> -> memref<!tpu.dma_semaphore, #tpu.memory_space<semaphore_mem>>
    %dma_start3A_1060 = arith.constant 12288 : i32
    %dma_start3A_1061 = arith.constant 0 : i32
    %dma_start3A_1062 = tpu.memref_slice %arg7[%dma_start3A_1060, %dma_start3A_1061] : memref<16384x128xf32, #tpu.memory_space<hbm>> -> memref<2048x128xf32, #tpu.memory_space<hbm>>
    %dma_start3A_1063 = arith.constant 0 : i32
    %dma_start3A_1064 = arith.constant 0 : i32
    %dma_start3A_1065 = tpu.memref_slice %arg8[%dma_start3A_1056, %dma_start3A_1063, %dma_start3A_1064] : memref<8x2048x128xf32, #tpu.memory_space<vmem>> -> memref<1x2048x128xf32, #tpu.memory_space<vmem>>
    %dma_start3A_1066 = tpu.memref_squeeze %dma_start3A_1065 : memref<1x2048x128xf32, #tpu.memory_space<vmem>> -> memref<2048x128xf32, #tpu.memory_space<vmem>>
    tpu.enqueue_dma source(%dma_start3A_1066 : memref<2048x128xf32, #tpu.memory_space<vmem>>) target(%dma_start3A_1062 : memref<2048x128xf32, #tpu.memory_space<hbm>>) target_semaphore(%dma_start3A_1059 : memref<!tpu.dma_semaphore, #tpu.memory_space<semaphore_mem>>)
    %get3A_1067 = arith.constant 24 : index
    %get3A_1068 = arith.constant 0 : index
    %get3A_1069 = vector.load %arg4[%get3A_1067, %get3A_1068] : memref<64x512xf32, #tpu.memory_space<vmem>>, vector<4x512xf32>
    %get3A_1070 = arith.constant 56 : index
    %get3A_1071 = arith.constant 0 : index
    %get3A_1072 = vector.load %arg4[%get3A_1070, %get3A_1071] : memref<64x512xf32, #tpu.memory_space<vmem>>, vector<4x512xf32>
    %mul3A_1073 = arith.mulf %get3A_1069, %get3A_1072 : vector<4x512xf32>
    %slice3A_1074 = vector.extract_strided_slice %mul3A_1073 {offsets = [0, 0], sizes = [1, 512], strides = [1, 1]} : vector<4x512xf32> to vector<1x512xf32>
    %squeeze3A_1075 = vector.shape_cast %slice3A_1074 : vector<1x512xf32> to vector<512xf32>
    %broadcast_in_dim3A_1076 = vector.shape_cast %squeeze3A_1075 : vector<512xf32> to vector<1x512xf32>
    %get3A_1077 = arith.constant 6 : index
    %get3A_1078 = arith.constant 0 : index
    %get3A_1079 = arith.constant 0 : index
    %get3A_1080 = vector.load %arg8[%get3A_1077, %get3A_1078, %get3A_1079] : memref<8x2048x128xf32, #tpu.memory_space<vmem>>, vector<1x512x128xf32>
    %get3A_1081 = vector.shape_cast %get3A_1080 : vector<1x512x128xf32> to vector<512x128xf32>
    %dot_general3A_1082 = arith.constant dense<0.000000e+00> : vector<1x128xf32>
    %dot_general3A_1083 = tpu.matmul %broadcast_in_dim3A_1076, %get3A_1081, %dot_general3A_1082 {dimension_numbers = #tpu.dot_dimension_numbers<[1], [0], [0], [1], [0, 0, 1, 1], [], []>, transpose_lhs_hint = false} : vector<1x512xf32>, vector<512x128xf32>, vector<1x128xf32> -> vector<1x128xf32>
    %slice3A_1084 = vector.extract_strided_slice %mul3A_1073 {offsets = [1, 0], sizes = [1, 512], strides = [1, 1]} : vector<4x512xf32> to vector<1x512xf32>
    %squeeze3A_1085 = vector.shape_cast %slice3A_1084 : vector<1x512xf32> to vector<512xf32>
    %broadcast_in_dim3A_1086 = vector.shape_cast %squeeze3A_1085 : vector<512xf32> to vector<1x512xf32>
    %get3A_1087 = arith.constant 6 : index
    %get3A_1088 = arith.constant 512 : index
    %get3A_1089 = arith.constant 0 : index
    %get3A_1090 = vector.load %arg8[%get3A_1087, %get3A_1088, %get3A_1089] : memref<8x2048x128xf32, #tpu.memory_space<vmem>>, vector<1x512x128xf32>
    %get3A_1091 = vector.shape_cast %get3A_1090 : vector<1x512x128xf32> to vector<512x128xf32>
    %dot_general3A_1092 = arith.constant dense<0.000000e+00> : vector<1x128xf32>
    %dot_general3A_1093 = tpu.matmul %broadcast_in_dim3A_1086, %get3A_1091, %dot_general3A_1092 {dimension_numbers = #tpu.dot_dimension_numbers<[1], [0], [0], [1], [0, 0, 1, 1], [], []>, transpose_lhs_hint = false} : vector<1x512xf32>, vector<512x128xf32>, vector<1x128xf32> -> vector<1x128xf32>
    %slice3A_1094 = vector.extract_strided_slice %mul3A_1073 {offsets = [2, 0], sizes = [1, 512], strides = [1, 1]} : vector<4x512xf32> to vector<1x512xf32>
    %squeeze3A_1095 = vector.shape_cast %slice3A_1094 : vector<1x512xf32> to vector<512xf32>
    %broadcast_in_dim3A_1096 = vector.shape_cast %squeeze3A_1095 : vector<512xf32> to vector<1x512xf32>
    %get3A_1097 = arith.constant 6 : index
    %get3A_1098 = arith.constant 1024 : index
    %get3A_1099 = arith.constant 0 : index
    %get3A_1100 = vector.load %arg8[%get3A_1097, %get3A_1098, %get3A_1099] : memref<8x2048x128xf32, #tpu.memory_space<vmem>>, vector<1x512x128xf32>
    %get3A_1101 = vector.shape_cast %get3A_1100 : vector<1x512x128xf32> to vector<512x128xf32>
    %dot_general3A_1102 = arith.constant dense<0.000000e+00> : vector<1x128xf32>
    %dot_general3A_1103 = tpu.matmul %broadcast_in_dim3A_1096, %get3A_1101, %dot_general3A_1102 {dimension_numbers = #tpu.dot_dimension_numbers<[1], [0], [0], [1], [0, 0, 1, 1], [], []>, transpose_lhs_hint = false} : vector<1x512xf32>, vector<512x128xf32>, vector<1x128xf32> -> vector<1x128xf32>
    %slice3A_1104 = vector.extract_strided_slice %mul3A_1073 {offsets = [3, 0], sizes = [1, 512], strides = [1, 1]} : vector<4x512xf32> to vector<1x512xf32>
    %squeeze3A_1105 = vector.shape_cast %slice3A_1104 : vector<1x512xf32> to vector<512xf32>
    %broadcast_in_dim3A_1106 = vector.shape_cast %squeeze3A_1105 : vector<512xf32> to vector<1x512xf32>
    %get3A_1107 = arith.constant 6 : index
    %get3A_1108 = arith.constant 1536 : index
    %get3A_1109 = arith.constant 0 : index
    %get3A_1110 = vector.load %arg8[%get3A_1107, %get3A_1108, %get3A_1109] : memref<8x2048x128xf32, #tpu.memory_space<vmem>>, vector<1x512x128xf32>
    %get3A_1111 = vector.shape_cast %get3A_1110 : vector<1x512x128xf32> to vector<512x128xf32>
    %dot_general3A_1112 = arith.constant dense<0.000000e+00> : vector<1x128xf32>
    %dot_general3A_1113 = tpu.matmul %broadcast_in_dim3A_1106, %get3A_1111, %dot_general3A_1112 {dimension_numbers = #tpu.dot_dimension_numbers<[1], [0], [0], [1], [0, 0, 1, 1], [], []>, transpose_lhs_hint = false} : vector<1x512xf32>, vector<512x128xf32>, vector<1x128xf32> -> vector<1x128xf32>
    %concatenate3A_1114 = tpu.concatenate %dot_general3A_1083, %dot_general3A_1093, %dot_general3A_1103, %dot_general3A_1113 in 0 : vector<1x128xf32>, vector<1x128xf32>, vector<1x128xf32>, vector<1x128xf32> -> vector<4x128xf32>
    %get3A_1115 = arith.constant 0 : index
    %get3A_1116 = arith.constant 0 : index
    %get3A_1117 = vector.load %arg3[%get3A_1115, %get3A_1116] : memref<128x128xf32, #tpu.memory_space<vmem>>, vector<128x128xf32>
    %dot_general3A_1118 = arith.constant dense<0.000000e+00> : vector<4x128xf32>
    %dot_general3A_1119 = tpu.matmul %concatenate3A_1114, %get3A_1117, %dot_general3A_1118 {dimension_numbers = #tpu.dot_dimension_numbers<[1], [0], [0], [1], [0, 0, 1, 1], [], []>, transpose_lhs_hint = false} : vector<4x128xf32>, vector<128x128xf32>, vector<4x128xf32> -> vector<4x128xf32>
    %tanh3A_1120 = math.tanh %dot_general3A_1119 : vector<4x128xf32>
    %swap3A_1121 = arith.constant 24 : index
    %swap3A_1122 = arith.constant 0 : index
    %swap3A_1123 = vector.load %arg6[%swap3A_1121, %swap3A_1122] : memref<32x128xf32, #tpu.memory_space<vmem>>, vector<4x128xf32>
    tpu.vector_store %arg6[%swap3A_1121, %swap3A_1122], %tanh3A_1120 {strides = array<i32>} : memref<32x128xf32, #tpu.memory_space<vmem>>, vector<4x128xf32>,
    %dma_wait3A_1124 = arith.constant 7 : i32
    %dma_wait3A_1125 = arith.constant 7 : i32
    %dma_wait3A_1126 = tpu.memref_slice %arg9[%dma_wait3A_1125] : memref<8x!tpu.dma_semaphore, #tpu.memory_space<semaphore_mem>> -> memref<1x!tpu.dma_semaphore, #tpu.memory_space<semaphore_mem>>
    %dma_wait3A_1127 = tpu.memref_squeeze %dma_wait3A_1126 : memref<1x!tpu.dma_semaphore, #tpu.memory_space<semaphore_mem>> -> memref<!tpu.dma_semaphore, #tpu.memory_space<semaphore_mem>>
    %dma_wait3A_1128 = arith.constant 0 : i32
    %dma_wait3A_1129 = arith.constant 0 : i32
    %dma_wait3A_1130 = tpu.memref_slice %arg8[%dma_wait3A_1124, %dma_wait3A_1128, %dma_wait3A_1129] : memref<8x2048x128xf32, #tpu.memory_space<vmem>> -> memref<1x2048x128xf32, #tpu.memory_space<vmem>>
    %dma_wait3A_1131 = tpu.memref_squeeze %dma_wait3A_1130 : memref<1x2048x128xf32, #tpu.memory_space<vmem>> -> memref<2048x128xf32, #tpu.memory_space<vmem>>
    %dma_wait3A_1132 = arith.constant 14336 : i32
    %dma_wait3A_1133 = arith.constant 0 : i32
    %dma_wait3A_1134 = tpu.memref_slice %arg5[%dma_wait3A_1132, %dma_wait3A_1133] : memref<16384x128xf32, #tpu.memory_space<hbm>> -> memref<2048x128xf32, #tpu.memory_space<hbm>>
    tpu.wait_dma2 semaphore(%dma_wait3A_1127 : memref<!tpu.dma_semaphore, #tpu.memory_space<semaphore_mem>>) src(%dma_wait3A_1134 : memref<2048x128xf32, #tpu.memory_space<hbm>>) dst(%dma_wait3A_1131 : memref<2048x128xf32, #tpu.memory_space<vmem>>)
    %get3A_1135 = arith.constant 7 : index
    %get3A_1136 = arith.constant 0 : index
    %get3A_1137 = arith.constant 0 : index
    %get3A_1138 = vector.load %arg8[%get3A_1135, %get3A_1136, %get3A_1137] : memref<8x2048x128xf32, #tpu.memory_space<vmem>>, vector<1x2048x128xf32>
    %get3A_1139 = vector.shape_cast %get3A_1138 : vector<1x2048x128xf32> to vector<2048x128xf32>
    %get3A_1140 = arith.constant 28 : index
    %get3A_1141 = memref.load %arg1[%get3A_1140] : memref<32xi32, #tpu.memory_space<smem>>
    %add3A_1142 = arith.constant 0 : i32
    %add3A_1143 = arith.addi %add3A_1142, %get3A_1141 : i32
    %eq3A_1144 = vector.broadcast %add3A_1143 : i32 to vector<2048x1xi32>
    %eq3A_1145 = arith.cmpi eq, %iota3A, %eq3A_1144 : vector<2048x1xi32>
    %get3A_1146 = arith.constant 28 : index
    %get3A_1147 = arith.constant 0 : index
    %get3A_1148 = vector.load %arg2[%get3A_1146, %get3A_1147] : memref<32x128xf32, #tpu.memory_space<vmem>>, vector<1x128xf32>
    %get3A_1149 = vector.shape_cast %get3A_1148 : vector<1x128xf32> to vector<128xf32>
    %broadcast_in_dim3A_1150 = vector.shape_cast %eq3A_1145 : vector<2048x1xi1> to vector<2048x1xi1>
    %broadcast_in_dim3A_1151 = vector.broadcast %broadcast_in_dim3A_1150 : vector<2048x1xi1> to vector<2048x128xi1>
    %broadcast_in_dim3A_1152 = vector.shape_cast %get3A_1149 : vector<128xf32> to vector<1x128xf32>
    %broadcast_in_dim3A_1153 = vector.broadcast %broadcast_in_dim3A_1152 : vector<1x128xf32> to vector<2048x128xf32>
    %select_n3A_1154 = arith.select %broadcast_in_dim3A_1151, %broadcast_in_dim3A_1153, %get3A_1139 : vector<2048x128xi1>, vector<2048x128xf32>
    %get3A_1155 = arith.constant 29 : index
    %get3A_1156 = memref.load %arg1[%get3A_1155] : memref<32xi32, #tpu.memory_space<smem>>
    %add3A_1157 = arith.constant 512 : i32
    %add3A_1158 = arith.addi %add3A_1157, %get3A_1156 : i32
    %eq3A_1159 = vector.broadcast %add3A_1158 : i32 to vector<2048x1xi32>
    %eq3A_1160 = arith.cmpi eq, %iota3A, %eq3A_1159 : vector<2048x1xi32>
    %get3A_1161 = arith.constant 29 : index
    %get3A_1162 = arith.constant 0 : index
    %get3A_1163 = vector.load %arg2[%get3A_1161, %get3A_1162] : memref<32x128xf32, #tpu.memory_space<vmem>>, vector<1x128xf32>
    %get3A_1164 = vector.shape_cast %get3A_1163 : vector<1x128xf32> to vector<128xf32>
    %broadcast_in_dim3A_1165 = vector.shape_cast %eq3A_1160 : vector<2048x1xi1> to vector<2048x1xi1>
    %broadcast_in_dim3A_1166 = vector.broadcast %broadcast_in_dim3A_1165 : vector<2048x1xi1> to vector<2048x128xi1>
    %broadcast_in_dim3A_1167 = vector.shape_cast %get3A_1164 : vector<128xf32> to vector<1x128xf32>
    %broadcast_in_dim3A_1168 = vector.broadcast %broadcast_in_dim3A_1167 : vector<1x128xf32> to vector<2048x128xf32>
    %select_n3A_1169 = arith.select %broadcast_in_dim3A_1166, %broadcast_in_dim3A_1168, %select_n3A_1154 : vector<2048x128xi1>, vector<2048x128xf32>
    %get3A_1170 = arith.constant 30 : index
    %get3A_1171 = memref.load %arg1[%get3A_1170] : memref<32xi32, #tpu.memory_space<smem>>
    %add3A_1172 = arith.constant 1024 : i32
    %add3A_1173 = arith.addi %add3A_1172, %get3A_1171 : i32
    %eq3A_1174 = vector.broadcast %add3A_1173 : i32 to vector<2048x1xi32>
    %eq3A_1175 = arith.cmpi eq, %iota3A, %eq3A_1174 : vector<2048x1xi32>
    %get3A_1176 = arith.constant 30 : index
    %get3A_1177 = arith.constant 0 : index
    %get3A_1178 = vector.load %arg2[%get3A_1176, %get3A_1177] : memref<32x128xf32, #tpu.memory_space<vmem>>, vector<1x128xf32>
    %get3A_1179 = vector.shape_cast %get3A_1178 : vector<1x128xf32> to vector<128xf32>
    %broadcast_in_dim3A_1180 = vector.shape_cast %eq3A_1175 : vector<2048x1xi1> to vector<2048x1xi1>
    %broadcast_in_dim3A_1181 = vector.broadcast %broadcast_in_dim3A_1180 : vector<2048x1xi1> to vector<2048x128xi1>
    %broadcast_in_dim3A_1182 = vector.shape_cast %get3A_1179 : vector<128xf32> to vector<1x128xf32>
    %broadcast_in_dim3A_1183 = vector.broadcast %broadcast_in_dim3A_1182 : vector<1x128xf32> to vector<2048x128xf32>
    %select_n3A_1184 = arith.select %broadcast_in_dim3A_1181, %broadcast_in_dim3A_1183, %select_n3A_1169 : vector<2048x128xi1>, vector<2048x128xf32>
    %get3A_1185 = arith.constant 31 : index
    %get3A_1186 = memref.load %arg1[%get3A_1185] : memref<32xi32, #tpu.memory_space<smem>>
    %add3A_1187 = arith.constant 1536 : i32
    %add3A_1188 = arith.addi %add3A_1187, %get3A_1186 : i32
    %eq3A_1189 = vector.broadcast %add3A_1188 : i32 to vector<2048x1xi32>
    %eq3A_1190 = arith.cmpi eq, %iota3A, %eq3A_1189 : vector<2048x1xi32>
    %get3A_1191 = arith.constant 31 : index
    %get3A_1192 = arith.constant 0 : index
    %get3A_1193 = vector.load %arg2[%get3A_1191, %get3A_1192] : memref<32x128xf32, #tpu.memory_space<vmem>>, vector<1x128xf32>
    %get3A_1194 = vector.shape_cast %get3A_1193 : vector<1x128xf32> to vector<128xf32>
    %broadcast_in_dim3A_1195 = vector.shape_cast %eq3A_1190 : vector<2048x1xi1> to vector<2048x1xi1>
    %broadcast_in_dim3A_1196 = vector.broadcast %broadcast_in_dim3A_1195 : vector<2048x1xi1> to vector<2048x128xi1>
    %broadcast_in_dim3A_1197 = vector.shape_cast %get3A_1194 : vector<128xf32> to vector<1x128xf32>
    %broadcast_in_dim3A_1198 = vector.broadcast %broadcast_in_dim3A_1197 : vector<1x128xf32> to vector<2048x128xf32>
    %select_n3A_1199 = arith.select %broadcast_in_dim3A_1196, %broadcast_in_dim3A_1198, %select_n3A_1184 : vector<2048x128xi1>, vector<2048x128xf32>
    %swap3A_1200 = arith.constant 7 : index
    %swap3A_1201 = arith.constant 0 : index
    %swap3A_1202 = arith.constant 0 : index
    %swap3A_1203 = vector.load %arg8[%swap3A_1200, %swap3A_1201, %swap3A_1202] : memref<8x2048x128xf32, #tpu.memory_space<vmem>>, vector<1x2048x128xf32>
    %swap3A_1204 = vector.shape_cast %swap3A_1203 : vector<1x2048x128xf32> to vector<2048x128xf32>
    %swap3A_1205 = vector.shape_cast %select_n3A_1199 : vector<2048x128xf32> to vector<1x2048x128xf32>
    tpu.vector_store %arg8[%swap3A_1200, %swap3A_1201, %swap3A_1202], %swap3A_1205 {strides = array<i32>} : memref<8x2048x128xf32, #tpu.memory_space<vmem>>, vector<1x2048x128xf32>,
    %dma_start3A_1206 = arith.constant 7 : i32
    %dma_start3A_1207 = arith.constant 7 : i32
    %dma_start3A_1208 = tpu.memref_slice %arg10[%dma_start3A_1207] : memref<8x!tpu.dma_semaphore, #tpu.memory_space<semaphore_mem>> -> memref<1x!tpu.dma_semaphore, #tpu.memory_space<semaphore_mem>>
    %dma_start3A_1209 = tpu.memref_squeeze %dma_start3A_1208 : memref<1x!tpu.dma_semaphore, #tpu.memory_space<semaphore_mem>> -> memref<!tpu.dma_semaphore, #tpu.memory_space<semaphore_mem>>
    %dma_start3A_1210 = arith.constant 14336 : i32
    %dma_start3A_1211 = arith.constant 0 : i32
    %dma_start3A_1212 = tpu.memref_slice %arg7[%dma_start3A_1210, %dma_start3A_1211] : memref<16384x128xf32, #tpu.memory_space<hbm>> -> memref<2048x128xf32, #tpu.memory_space<hbm>>
    %dma_start3A_1213 = arith.constant 0 : i32
    %dma_start3A_1214 = arith.constant 0 : i32
    %dma_start3A_1215 = tpu.memref_slice %arg8[%dma_start3A_1206, %dma_start3A_1213, %dma_start3A_1214] : memref<8x2048x128xf32, #tpu.memory_space<vmem>> -> memref<1x2048x128xf32, #tpu.memory_space<vmem>>
    %dma_start3A_1216 = tpu.memref_squeeze %dma_start3A_1215 : memref<1x2048x128xf32, #tpu.memory_space<vmem>> -> memref<2048x128xf32, #tpu.memory_space<vmem>>
    tpu.enqueue_dma source(%dma_start3A_1216 : memref<2048x128xf32, #tpu.memory_space<vmem>>) target(%dma_start3A_1212 : memref<2048x128xf32, #tpu.memory_space<hbm>>) target_semaphore(%dma_start3A_1209 : memref<!tpu.dma_semaphore, #tpu.memory_space<semaphore_mem>>)
    %get3A_1217 = arith.constant 28 : index
    %get3A_1218 = arith.constant 0 : index
    %get3A_1219 = vector.load %arg4[%get3A_1217, %get3A_1218] : memref<64x512xf32, #tpu.memory_space<vmem>>, vector<4x512xf32>
    %get3A_1220 = arith.constant 60 : index
    %get3A_1221 = arith.constant 0 : index
    %get3A_1222 = vector.load %arg4[%get3A_1220, %get3A_1221] : memref<64x512xf32, #tpu.memory_space<vmem>>, vector<4x512xf32>
    %mul3A_1223 = arith.mulf %get3A_1219, %get3A_1222 : vector<4x512xf32>
    %slice3A_1224 = vector.extract_strided_slice %mul3A_1223 {offsets = [0, 0], sizes = [1, 512], strides = [1, 1]} : vector<4x512xf32> to vector<1x512xf32>
    %squeeze3A_1225 = vector.shape_cast %slice3A_1224 : vector<1x512xf32> to vector<512xf32>
    %broadcast_in_dim3A_1226 = vector.shape_cast %squeeze3A_1225 : vector<512xf32> to vector<1x512xf32>
    %get3A_1227 = arith.constant 7 : index
    %get3A_1228 = arith.constant 0 : index
    %get3A_1229 = arith.constant 0 : index
    %get3A_1230 = vector.load %arg8[%get3A_1227, %get3A_1228, %get3A_1229] : memref<8x2048x128xf32, #tpu.memory_space<vmem>>, vector<1x512x128xf32>
    %get3A_1231 = vector.shape_cast %get3A_1230 : vector<1x512x128xf32> to vector<512x128xf32>
    %dot_general3A_1232 = arith.constant dense<0.000000e+00> : vector<1x128xf32>
    %dot_general3A_1233 = tpu.matmul %broadcast_in_dim3A_1226, %get3A_1231, %dot_general3A_1232 {dimension_numbers = #tpu.dot_dimension_numbers<[1], [0], [0], [1], [0, 0, 1, 1], [], []>, transpose_lhs_hint = false} : vector<1x512xf32>, vector<512x128xf32>, vector<1x128xf32> -> vector<1x128xf32>
    %slice3A_1234 = vector.extract_strided_slice %mul3A_1223 {offsets = [1, 0], sizes = [1, 512], strides = [1, 1]} : vector<4x512xf32> to vector<1x512xf32>
    %squeeze3A_1235 = vector.shape_cast %slice3A_1234 : vector<1x512xf32> to vector<512xf32>
    %broadcast_in_dim3A_1236 = vector.shape_cast %squeeze3A_1235 : vector<512xf32> to vector<1x512xf32>
    %get3A_1237 = arith.constant 7 : index
    %get3A_1238 = arith.constant 512 : index
    %get3A_1239 = arith.constant 0 : index
    %get3A_1240 = vector.load %arg8[%get3A_1237, %get3A_1238, %get3A_1239] : memref<8x2048x128xf32, #tpu.memory_space<vmem>>, vector<1x512x128xf32>
    %get3A_1241 = vector.shape_cast %get3A_1240 : vector<1x512x128xf32> to vector<512x128xf32>
    %dot_general3A_1242 = arith.constant dense<0.000000e+00> : vector<1x128xf32>
    %dot_general3A_1243 = tpu.matmul %broadcast_in_dim3A_1236, %get3A_1241, %dot_general3A_1242 {dimension_numbers = #tpu.dot_dimension_numbers<[1], [0], [0], [1], [0, 0, 1, 1], [], []>, transpose_lhs_hint = false} : vector<1x512xf32>, vector<512x128xf32>, vector<1x128xf32> -> vector<1x128xf32>
    %slice3A_1244 = vector.extract_strided_slice %mul3A_1223 {offsets = [2, 0], sizes = [1, 512], strides = [1, 1]} : vector<4x512xf32> to vector<1x512xf32>
    %squeeze3A_1245 = vector.shape_cast %slice3A_1244 : vector<1x512xf32> to vector<512xf32>
    %broadcast_in_dim3A_1246 = vector.shape_cast %squeeze3A_1245 : vector<512xf32> to vector<1x512xf32>
    %get3A_1247 = arith.constant 7 : index
    %get3A_1248 = arith.constant 1024 : index
    %get3A_1249 = arith.constant 0 : index
    %get3A_1250 = vector.load %arg8[%get3A_1247, %get3A_1248, %get3A_1249] : memref<8x2048x128xf32, #tpu.memory_space<vmem>>, vector<1x512x128xf32>
    %get3A_1251 = vector.shape_cast %get3A_1250 : vector<1x512x128xf32> to vector<512x128xf32>
    %dot_general3A_1252 = arith.constant dense<0.000000e+00> : vector<1x128xf32>
    %dot_general3A_1253 = tpu.matmul %broadcast_in_dim3A_1246, %get3A_1251, %dot_general3A_1252 {dimension_numbers = #tpu.dot_dimension_numbers<[1], [0], [0], [1], [0, 0, 1, 1], [], []>, transpose_lhs_hint = false} : vector<1x512xf32>, vector<512x128xf32>, vector<1x128xf32> -> vector<1x128xf32>
    %slice3A_1254 = vector.extract_strided_slice %mul3A_1223 {offsets = [3, 0], sizes = [1, 512], strides = [1, 1]} : vector<4x512xf32> to vector<1x512xf32>
    %squeeze3A_1255 = vector.shape_cast %slice3A_1254 : vector<1x512xf32> to vector<512xf32>
    %broadcast_in_dim3A_1256 = vector.shape_cast %squeeze3A_1255 : vector<512xf32> to vector<1x512xf32>
    %get3A_1257 = arith.constant 7 : index
    %get3A_1258 = arith.constant 1536 : index
    %get3A_1259 = arith.constant 0 : index
    %get3A_1260 = vector.load %arg8[%get3A_1257, %get3A_1258, %get3A_1259] : memref<8x2048x128xf32, #tpu.memory_space<vmem>>, vector<1x512x128xf32>
    %get3A_1261 = vector.shape_cast %get3A_1260 : vector<1x512x128xf32> to vector<512x128xf32>
    %dot_general3A_1262 = arith.constant dense<0.000000e+00> : vector<1x128xf32>
    %dot_general3A_1263 = tpu.matmul %broadcast_in_dim3A_1256, %get3A_1261, %dot_general3A_1262 {dimension_numbers = #tpu.dot_dimension_numbers<[1], [0], [0], [1], [0, 0, 1, 1], [], []>, transpose_lhs_hint = false} : vector<1x512xf32>, vector<512x128xf32>, vector<1x128xf32> -> vector<1x128xf32>
    %concatenate3A_1264 = tpu.concatenate %dot_general3A_1233, %dot_general3A_1243, %dot_general3A_1253, %dot_general3A_1263 in 0 : vector<1x128xf32>, vector<1x128xf32>, vector<1x128xf32>, vector<1x128xf32> -> vector<4x128xf32>
    %get3A_1265 = arith.constant 0 : index
    %get3A_1266 = arith.constant 0 : index
    %get3A_1267 = vector.load %arg3[%get3A_1265, %get3A_1266] : memref<128x128xf32, #tpu.memory_space<vmem>>, vector<128x128xf32>
    %dot_general3A_1268 = arith.constant dense<0.000000e+00> : vector<4x128xf32>
    %dot_general3A_1269 = tpu.matmul %concatenate3A_1264, %get3A_1267, %dot_general3A_1268 {dimension_numbers = #tpu.dot_dimension_numbers<[1], [0], [0], [1], [0, 0, 1, 1], [], []>, transpose_lhs_hint = false} : vector<4x128xf32>, vector<128x128xf32>, vector<4x128xf32> -> vector<4x128xf32>
    %tanh3A_1270 = math.tanh %dot_general3A_1269 : vector<4x128xf32>
    %swap3A_1271 = arith.constant 28 : index
    %swap3A_1272 = arith.constant 0 : index
    %swap3A_1273 = vector.load %arg6[%swap3A_1271, %swap3A_1272] : memref<32x128xf32, #tpu.memory_space<vmem>>, vector<4x128xf32>
    tpu.vector_store %arg6[%swap3A_1271, %swap3A_1272], %tanh3A_1270 {strides = array<i32>} : memref<32x128xf32, #tpu.memory_space<vmem>>, vector<4x128xf32>,
    %dma_wait3A_1274 = arith.constant 0 : i32
    %dma_wait3A_1275 = arith.constant 0 : i32
    %dma_wait3A_1276 = tpu.memref_slice %arg10[%dma_wait3A_1275] : memref<8x!tpu.dma_semaphore, #tpu.memory_space<semaphore_mem>> -> memref<1x!tpu.dma_semaphore, #tpu.memory_space<semaphore_mem>>
    %dma_wait3A_1277 = tpu.memref_squeeze %dma_wait3A_1276 : memref<1x!tpu.dma_semaphore, #tpu.memory_space<semaphore_mem>> -> memref<!tpu.dma_semaphore, #tpu.memory_space<semaphore_mem>>
    %dma_wait3A_1278 = arith.constant 0 : i32
    %dma_wait3A_1279 = arith.constant 0 : i32
    %dma_wait3A_1280 = tpu.memref_slice %arg7[%dma_wait3A_1278, %dma_wait3A_1279] : memref<16384x128xf32, #tpu.memory_space<hbm>> -> memref<2048x128xf32, #tpu.memory_space<hbm>>
    %dma_wait3A_1281 = arith.constant 0 : i32
    %dma_wait3A_1282 = arith.constant 0 : i32
    %dma_wait3A_1283 = tpu.memref_slice %arg8[%dma_wait3A_1274, %dma_wait3A_1281, %dma_wait3A_1282] : memref<8x2048x128xf32, #tpu.memory_space<vmem>> -> memref<1x2048x128xf32, #tpu.memory_space<vmem>>
    %dma_wait3A_1284 = tpu.memref_squeeze %dma_wait3A_1283 : memref<1x2048x128xf32, #tpu.memory_space<vmem>> -> memref<2048x128xf32, #tpu.memory_space<vmem>>
    tpu.wait_dma2 semaphore(%dma_wait3A_1277 : memref<!tpu.dma_semaphore, #tpu.memory_space<semaphore_mem>>) src(%dma_wait3A_1284 : memref<2048x128xf32, #tpu.memory_space<vmem>>) dst(%dma_wait3A_1280 : memref<2048x128xf32, #tpu.memory_space<hbm>>)
    %dma_wait3A_1285 = arith.constant 1 : i32
    %dma_wait3A_1286 = arith.constant 1 : i32
    %dma_wait3A_1287 = tpu.memref_slice %arg10[%dma_wait3A_1286] : memref<8x!tpu.dma_semaphore, #tpu.memory_space<semaphore_mem>> -> memref<1x!tpu.dma_semaphore, #tpu.memory_space<semaphore_mem>>
    %dma_wait3A_1288 = tpu.memref_squeeze %dma_wait3A_1287 : memref<1x!tpu.dma_semaphore, #tpu.memory_space<semaphore_mem>> -> memref<!tpu.dma_semaphore, #tpu.memory_space<semaphore_mem>>
    %dma_wait3A_1289 = arith.constant 2048 : i32
    %dma_wait3A_1290 = arith.constant 0 : i32
    %dma_wait3A_1291 = tpu.memref_slice %arg7[%dma_wait3A_1289, %dma_wait3A_1290] : memref<16384x128xf32, #tpu.memory_space<hbm>> -> memref<2048x128xf32, #tpu.memory_space<hbm>>
    %dma_wait3A_1292 = arith.constant 0 : i32
    %dma_wait3A_1293 = arith.constant 0 : i32
    %dma_wait3A_1294 = tpu.memref_slice %arg8[%dma_wait3A_1285, %dma_wait3A_1292, %dma_wait3A_1293] : memref<8x2048x128xf32, #tpu.memory_space<vmem>> -> memref<1x2048x128xf32, #tpu.memory_space<vmem>>
    %dma_wait3A_1295 = tpu.memref_squeeze %dma_wait3A_1294 : memref<1x2048x128xf32, #tpu.memory_space<vmem>> -> memref<2048x128xf32, #tpu.memory_space<vmem>>
    tpu.wait_dma2 semaphore(%dma_wait3A_1288 : memref<!tpu.dma_semaphore, #tpu.memory_space<semaphore_mem>>) src(%dma_wait3A_1295 : memref<2048x128xf32, #tpu.memory_space<vmem>>) dst(%dma_wait3A_1291 : memref<2048x128xf32, #tpu.memory_space<hbm>>)
    %dma_wait3A_1296 = arith.constant 2 : i32
    %dma_wait3A_1297 = arith.constant 2 : i32
    %dma_wait3A_1298 = tpu.memref_slice %arg10[%dma_wait3A_1297] : memref<8x!tpu.dma_semaphore, #tpu.memory_space<semaphore_mem>> -> memref<1x!tpu.dma_semaphore, #tpu.memory_space<semaphore_mem>>
    %dma_wait3A_1299 = tpu.memref_squeeze %dma_wait3A_1298 : memref<1x!tpu.dma_semaphore, #tpu.memory_space<semaphore_mem>> -> memref<!tpu.dma_semaphore, #tpu.memory_space<semaphore_mem>>
    %dma_wait3A_1300 = arith.constant 4096 : i32
    %dma_wait3A_1301 = arith.constant 0 : i32
    %dma_wait3A_1302 = tpu.memref_slice %arg7[%dma_wait3A_1300, %dma_wait3A_1301] : memref<16384x128xf32, #tpu.memory_space<hbm>> -> memref<2048x128xf32, #tpu.memory_space<hbm>>
    %dma_wait3A_1303 = arith.constant 0 : i32
    %dma_wait3A_1304 = arith.constant 0 : i32
    %dma_wait3A_1305 = tpu.memref_slice %arg8[%dma_wait3A_1296, %dma_wait3A_1303, %dma_wait3A_1304] : memref<8x2048x128xf32, #tpu.memory_space<vmem>> -> memref<1x2048x128xf32, #tpu.memory_space<vmem>>
    %dma_wait3A_1306 = tpu.memref_squeeze %dma_wait3A_1305 : memref<1x2048x128xf32, #tpu.memory_space<vmem>> -> memref<2048x128xf32, #tpu.memory_space<vmem>>
    tpu.wait_dma2 semaphore(%dma_wait3A_1299 : memref<!tpu.dma_semaphore, #tpu.memory_space<semaphore_mem>>) src(%dma_wait3A_1306 : memref<2048x128xf32, #tpu.memory_space<vmem>>) dst(%dma_wait3A_1302 : memref<2048x128xf32, #tpu.memory_space<hbm>>)
    %dma_wait3A_1307 = arith.constant 3 : i32
    %dma_wait3A_1308 = arith.constant 3 : i32
    %dma_wait3A_1309 = tpu.memref_slice %arg10[%dma_wait3A_1308] : memref<8x!tpu.dma_semaphore, #tpu.memory_space<semaphore_mem>> -> memref<1x!tpu.dma_semaphore, #tpu.memory_space<semaphore_mem>>
    %dma_wait3A_1310 = tpu.memref_squeeze %dma_wait3A_1309 : memref<1x!tpu.dma_semaphore, #tpu.memory_space<semaphore_mem>> -> memref<!tpu.dma_semaphore, #tpu.memory_space<semaphore_mem>>
    %dma_wait3A_1311 = arith.constant 6144 : i32
    %dma_wait3A_1312 = arith.constant 0 : i32
    %dma_wait3A_1313 = tpu.memref_slice %arg7[%dma_wait3A_1311, %dma_wait3A_1312] : memref<16384x128xf32, #tpu.memory_space<hbm>> -> memref<2048x128xf32, #tpu.memory_space<hbm>>
    %dma_wait3A_1314 = arith.constant 0 : i32
    %dma_wait3A_1315 = arith.constant 0 : i32
    %dma_wait3A_1316 = tpu.memref_slice %arg8[%dma_wait3A_1307, %dma_wait3A_1314, %dma_wait3A_1315] : memref<8x2048x128xf32, #tpu.memory_space<vmem>> -> memref<1x2048x128xf32, #tpu.memory_space<vmem>>
    %dma_wait3A_1317 = tpu.memref_squeeze %dma_wait3A_1316 : memref<1x2048x128xf32, #tpu.memory_space<vmem>> -> memref<2048x128xf32, #tpu.memory_space<vmem>>
    tpu.wait_dma2 semaphore(%dma_wait3A_1310 : memref<!tpu.dma_semaphore, #tpu.memory_space<semaphore_mem>>) src(%dma_wait3A_1317 : memref<2048x128xf32, #tpu.memory_space<vmem>>) dst(%dma_wait3A_1313 : memref<2048x128xf32, #tpu.memory_space<hbm>>)
    %dma_wait3A_1318 = arith.constant 4 : i32
    %dma_wait3A_1319 = arith.constant 4 : i32
    %dma_wait3A_1320 = tpu.memref_slice %arg10[%dma_wait3A_1319] : memref<8x!tpu.dma_semaphore, #tpu.memory_space<semaphore_mem>> -> memref<1x!tpu.dma_semaphore, #tpu.memory_space<semaphore_mem>>
    %dma_wait3A_1321 = tpu.memref_squeeze %dma_wait3A_1320 : memref<1x!tpu.dma_semaphore, #tpu.memory_space<semaphore_mem>> -> memref<!tpu.dma_semaphore, #tpu.memory_space<semaphore_mem>>
    %dma_wait3A_1322 = arith.constant 8192 : i32
    %dma_wait3A_1323 = arith.constant 0 : i32
    %dma_wait3A_1324 = tpu.memref_slice %arg7[%dma_wait3A_1322, %dma_wait3A_1323] : memref<16384x128xf32, #tpu.memory_space<hbm>> -> memref<2048x128xf32, #tpu.memory_space<hbm>>
    %dma_wait3A_1325 = arith.constant 0 : i32
    %dma_wait3A_1326 = arith.constant 0 : i32
    %dma_wait3A_1327 = tpu.memref_slice %arg8[%dma_wait3A_1318, %dma_wait3A_1325, %dma_wait3A_1326] : memref<8x2048x128xf32, #tpu.memory_space<vmem>> -> memref<1x2048x128xf32, #tpu.memory_space<vmem>>
    %dma_wait3A_1328 = tpu.memref_squeeze %dma_wait3A_1327 : memref<1x2048x128xf32, #tpu.memory_space<vmem>> -> memref<2048x128xf32, #tpu.memory_space<vmem>>
    tpu.wait_dma2 semaphore(%dma_wait3A_1321 : memref<!tpu.dma_semaphore, #tpu.memory_space<semaphore_mem>>) src(%dma_wait3A_1328 : memref<2048x128xf32, #tpu.memory_space<vmem>>) dst(%dma_wait3A_1324 : memref<2048x128xf32, #tpu.memory_space<hbm>>)
    %dma_wait3A_1329 = arith.constant 5 : i32
    %dma_wait3A_1330 = arith.constant 5 : i32
    %dma_wait3A_1331 = tpu.memref_slice %arg10[%dma_wait3A_1330] : memref<8x!tpu.dma_semaphore, #tpu.memory_space<semaphore_mem>> -> memref<1x!tpu.dma_semaphore, #tpu.memory_space<semaphore_mem>>
    %dma_wait3A_1332 = tpu.memref_squeeze %dma_wait3A_1331 : memref<1x!tpu.dma_semaphore, #tpu.memory_space<semaphore_mem>> -> memref<!tpu.dma_semaphore, #tpu.memory_space<semaphore_mem>>
    %dma_wait3A_1333 = arith.constant 10240 : i32
    %dma_wait3A_1334 = arith.constant 0 : i32
    %dma_wait3A_1335 = tpu.memref_slice %arg7[%dma_wait3A_1333, %dma_wait3A_1334] : memref<16384x128xf32, #tpu.memory_space<hbm>> -> memref<2048x128xf32, #tpu.memory_space<hbm>>
    %dma_wait3A_1336 = arith.constant 0 : i32
    %dma_wait3A_1337 = arith.constant 0 : i32
    %dma_wait3A_1338 = tpu.memref_slice %arg8[%dma_wait3A_1329, %dma_wait3A_1336, %dma_wait3A_1337] : memref<8x2048x128xf32, #tpu.memory_space<vmem>> -> memref<1x2048x128xf32, #tpu.memory_space<vmem>>
    %dma_wait3A_1339 = tpu.memref_squeeze %dma_wait3A_1338 : memref<1x2048x128xf32, #tpu.memory_space<vmem>> -> memref<2048x128xf32, #tpu.memory_space<vmem>>
    tpu.wait_dma2 semaphore(%dma_wait3A_1332 : memref<!tpu.dma_semaphore, #tpu.memory_space<semaphore_mem>>) src(%dma_wait3A_1339 : memref<2048x128xf32, #tpu.memory_space<vmem>>) dst(%dma_wait3A_1335 : memref<2048x128xf32, #tpu.memory_space<hbm>>)
    %dma_wait3A_1340 = arith.constant 6 : i32
    %dma_wait3A_1341 = arith.constant 6 : i32
    %dma_wait3A_1342 = tpu.memref_slice %arg10[%dma_wait3A_1341] : memref<8x!tpu.dma_semaphore, #tpu.memory_space<semaphore_mem>> -> memref<1x!tpu.dma_semaphore, #tpu.memory_space<semaphore_mem>>
    %dma_wait3A_1343 = tpu.memref_squeeze %dma_wait3A_1342 : memref<1x!tpu.dma_semaphore, #tpu.memory_space<semaphore_mem>> -> memref<!tpu.dma_semaphore, #tpu.memory_space<semaphore_mem>>
    %dma_wait3A_1344 = arith.constant 12288 : i32
    %dma_wait3A_1345 = arith.constant 0 : i32
    %dma_wait3A_1346 = tpu.memref_slice %arg7[%dma_wait3A_1344, %dma_wait3A_1345] : memref<16384x128xf32, #tpu.memory_space<hbm>> -> memref<2048x128xf32, #tpu.memory_space<hbm>>
    %dma_wait3A_1347 = arith.constant 0 : i32
    %dma_wait3A_1348 = arith.constant 0 : i32
    %dma_wait3A_1349 = tpu.memref_slice %arg8[%dma_wait3A_1340, %dma_wait3A_1347, %dma_wait3A_1348] : memref<8x2048x128xf32, #tpu.memory_space<vmem>> -> memref<1x2048x128xf32, #tpu.memory_space<vmem>>
    %dma_wait3A_1350 = tpu.memref_squeeze %dma_wait3A_1349 : memref<1x2048x128xf32, #tpu.memory_space<vmem>> -> memref<2048x128xf32, #tpu.memory_space<vmem>>
    tpu.wait_dma2 semaphore(%dma_wait3A_1343 : memref<!tpu.dma_semaphore, #tpu.memory_space<semaphore_mem>>) src(%dma_wait3A_1350 : memref<2048x128xf32, #tpu.memory_space<vmem>>) dst(%dma_wait3A_1346 : memref<2048x128xf32, #tpu.memory_space<hbm>>)
    %dma_wait3A_1351 = arith.constant 7 : i32
    %dma_wait3A_1352 = arith.constant 7 : i32
    %dma_wait3A_1353 = tpu.memref_slice %arg10[%dma_wait3A_1352] : memref<8x!tpu.dma_semaphore, #tpu.memory_space<semaphore_mem>> -> memref<1x!tpu.dma_semaphore, #tpu.memory_space<semaphore_mem>>
    %dma_wait3A_1354 = tpu.memref_squeeze %dma_wait3A_1353 : memref<1x!tpu.dma_semaphore, #tpu.memory_space<semaphore_mem>> -> memref<!tpu.dma_semaphore, #tpu.memory_space<semaphore_mem>>
    %dma_wait3A_1355 = arith.constant 14336 : i32
    %dma_wait3A_1356 = arith.constant 0 : i32
    %dma_wait3A_1357 = tpu.memref_slice %arg7[%dma_wait3A_1355, %dma_wait3A_1356] : memref<16384x128xf32, #tpu.memory_space<hbm>> -> memref<2048x128xf32, #tpu.memory_space<hbm>>
    %dma_wait3A_1358 = arith.constant 0 : i32
    %dma_wait3A_1359 = arith.constant 0 : i32
    %dma_wait3A_1360 = tpu.memref_slice %arg8[%dma_wait3A_1351, %dma_wait3A_1358, %dma_wait3A_1359] : memref<8x2048x128xf32, #tpu.memory_space<vmem>> -> memref<1x2048x128xf32, #tpu.memory_space<vmem>>
    %dma_wait3A_1361 = tpu.memref_squeeze %dma_wait3A_1360 : memref<1x2048x128xf32, #tpu.memory_space<vmem>> -> memref<2048x128xf32, #tpu.memory_space<vmem>>
    tpu.wait_dma2 semaphore(%dma_wait3A_1354 : memref<!tpu.dma_semaphore, #tpu.memory_space<semaphore_mem>>) src(%dma_wait3A_1361 : memref<2048x128xf32, #tpu.memory_space<vmem>>) dst(%dma_wait3A_1357 : memref<2048x128xf32, #tpu.memory_space<hbm>>)
    return
  }
  func.func @transform_0(%arg0: i32, %arg1: memref<32xi32, #tpu.memory_space<smem>>) -> (i32, i32) {
    %c0_i32 = arith.constant 0 : i32
    %c0_i32_0 = arith.constant 0 : i32
    %c0_i32_1 = arith.constant 0 : i32
    return %c0_i32, %c0_i32_0 : i32, i32
  }
  func.func @transform_1(%arg0: i32, %arg1: memref<32xi32, #tpu.memory_space<smem>>) -> (i32, i32) {
    %c0_i32 = arith.constant 0 : i32
    %c0_i32_0 = arith.constant 0 : i32
    %c0_i32_1 = arith.constant 0 : i32
    return %c0_i32, %c0_i32_0 : i32, i32
  }
  func.func @transform_2(%arg0: i32, %arg1: memref<32xi32, #tpu.memory_space<smem>>) -> (i32, i32) {
    %c0_i32 = arith.constant 0 : i32
    %c0_i32_0 = arith.constant 0 : i32
    %c0_i32_1 = arith.constant 0 : i32
    return %c0_i32, %c0_i32_0 : i32, i32
  }
  func.func @transform_4(%arg0: i32, %arg1: memref<32xi32, #tpu.memory_space<smem>>) -> (i32, i32) {
    %c0_i32 = arith.constant 0 : i32
    %c0_i32_0 = arith.constant 0 : i32
    %c0_i32_1 = arith.constant 0 : i32
    return %c0_i32, %c0_i32_0 : i32, i32
  }
}

</mosaic_0001>

<sc_bundles>
// kernel: kernel.4.cloned.1.call-start
scs
__scs_entry_jumppad:
0x0: {  	(pc) =	sbr.rel $0x88, $3  }
0x1: {  	(tag) =	ssettag $0x0;
	lr =	simm.s32 $0x1  }
0x2: {  	[smem:$0x3F9B] =	sst lr;
	_ =	strace $0xD0000000  }
0x3: {  	_ = 	snop  }
0x4: {  	_ = 	snop  }
0x5: {  	_ = 	snop  }
0x6: {  	_ = 	snop  }
0x7: {  	_ = 	snop  }
__scs_overlays_trampoline_lowered:
0x8: {  	[smem:$0x3FAA] =	sst s0  }
0x9: {  	[smem:$0x3FAB] =	sst s1  }
0xa: {  	[smem:$0x3FAC] =	sst s2  }
0xb: {  	[smem:$0x3FAD] =	sst s3  }
0xc: {  	[smem:$0x3FAE] =	sst s4  }
0xd: {  	[smem:$0x3FAF] =	sst s5  }
0xe: {  	[smem:$0x3FB0] =	sst s6  }
0xf: {  	[smem:$0x3FB1] =	sst s7  }
0x10: {  	[smem:$0x3FB2] =	sst s8  }
0x11: {  	[smem:$0x3FB3] =	sst s9;
	s0 =	simm.s32 @!p0 $0x0  }
0x12: {  	s1 =	sld [smem:$0x3F99];
	s0 =	simm.s32 @p0 $0x1  }
0x13: {  	[smem:$0x3FB4] =	sst s0;
	s0 =	simm.s32 @!p1 $0x0  }
0x14: {  	s2 =	sld [smem:$0x3F98];
	s0 =	simm.s32 @p1 $0x1  }
0x15: {  	[smem:$0x3FB5] =	sst s0;
	s0 =	simm.s32 @!p2 $0x0  }
0x16: {  	s3 =	sld [smem:$0x3FDB];
	s0 =	simm.s32 @p2 $0x1  }
0x17: {  	s4 =	simm.s32 $0x1BF5;
	[smem:$0x3FB7] =	sst s0  }
0x18: {  	s0 =	sld [smem:$0x3F9A];
	_ =	swait.ge [sflag:s4], $0x0  }
0x19: {  	s7 =	sld [smem:$0x3F9B]  }
0x1a: {  	s8 =	sadd.s32 $0xFFFFE003, lr  }
0x1b: {  	s9 =	sadd.s32 $0xFFFFFEF7, lr;
	s5 =	simm.s32 $0xFFFFFFFF;
	p2 =	slt.u32 s8, $0xFFFFF086  }
0x1c: {  	p1 =	slt.u32 s9, $0xF7A;
	s5 =	simm.s32 @!p2 $0x0  }
0x1d: {  	s5 =	simm.s32 @p1 $0x1;
	p0 =	seq.s32 s7, s2  }
0x1e: {  	s7 =	smul.u32 @!p0 $0xF7A, s2;
	p2 =	seq.s32 @!p0 s5, $0x0  }
0x1f: {  	s9 =	smul.u32 $0xF7A, s1;
	s8 =	simm.s32 @!p0 $0x1BF5;
	p2 =	por !p2, p0  }
0x20: {  	[sflag:s8] =	ssyncset.s32 @!p0 $0xFFFFF086;
	s6 =	sadd.s32 @!p0 s3, s7;
	s7 =	simm.s32 @!p0 $0x108  }
0x21: {  	s3 =	sadd.s32 s3, s9;
	s6 =	sadd.s32 @!p0 $0x88, s6;
	s7 =	simm.s32 @p2 $0x1082  }
0x22: {  	[simem:s7], [sflag:s8] =	dma.local @!p0 [hbm:s6], $0xF7A  }
0x23: {  	s9 =	sor.u32 $0xD0000000, s2;
	s6 =	simm.s32 $0x108;
	_ =	swait.ge @!p0 [sflag:s8], $0x0  }
0x24: {  	s3 =	sadd.s32 $0x88, s3;
	s6 =	simm.s32 @!p1 $0x1082;
	[sflag:s4] =	ssyncset.s32 $0xFFFFF086  }
0x25: {  	[simem:s6], [sflag:s4] =	dma.local [hbm:s3], $0xF7A  }
0x26: {  	[smem:$0x3F9B] =	sst s1;
	(tag) =	ssettag s2;
	_ =	strace s9  }
0x27: {  	s1 =	sld [smem:$0x3FAB]  }
0x28: {  	s2 =	sld [smem:$0x3FAC]  }
0x29: {  	s4 =	sld [smem:$0x3FAE]  }
0x2a: {  	p0 =	seq.s32 s5, $0x0;
	s5 =	sld [smem:$0x3FAF]  }
0x2b: {  	s6 =	sld [smem:$0x3FB0]  }
0x2c: {  	s7 =	sld [smem:$0x3FB1]  }
0x2d: {  	s3 =	simm.s32 $0x108;
	s8 =	sld [smem:$0x3FB2]  }
0x2e: {  	s3 =	simm.s32 @!p0 $0x1082;
	s9 =	sld [smem:$0x3FB3]  }
0x2f: {  	lr =	sadd.s32 s0, s3;
	s0 =	sld [smem:$0x3FAA]  }
0x30: {  	s3 =	sld [smem:$0x3FAD]  }
0x31: {  	[smem:$0x3FB6] =	sst s10  }
0x32: {  	s10 =	sld [smem:$0x3FB4];
	_ =	sdelay $0x3  }
0x33: {  	p0 =	seq.s32 s10, $0x1;
	s10 =	sld [smem:$0x3FB6];
	_ =	sdelay $0x3  }
0x34: {  	[smem:$0x3FB6] =	sst s10  }
0x35: {  	s10 =	sld [smem:$0x3FB5];
	_ =	sdelay $0x3  }
0x36: {  	p1 =	seq.s32 s10, $0x1;
	s10 =	sld [smem:$0x3FB6];
	_ =	sdelay $0x3  }
0x37: {  	[smem:$0x3FB6] =	sst s10  }
0x38: {  	s10 =	sld [smem:$0x3FB7]  }
0x39: {  	_ = 	snop;
	(pc) =	sbr.ind lr, $3  }
0x3a: {  	_ = 	snop  }
0x3b: {  	_ = 	snop  }
0x3c: {  	p2 =	seq.s32 s10, $0x1;
	s10 =	sld [smem:$0x3FB6]  }
0x3d: {  	_ =	shalt  }
0x3e: {  	_ =	shalt  }
0x3f: {  	_ =	shalt  }
0x40: {  	_ =	shalt  }
0x41: {  	_ =	shalt  }
0x42: {  	_ =	shalt  }
0x43: {  	_ =	shalt  }
0x44: {  	_ =	shalt  }
0x45: {  	_ =	shalt  }
0x46: {  	_ =	shalt  }
0x47: {  	_ =	shalt  }
0x48: {  	_ =	shalt  }
0x49: {  	_ =	shalt  }
0x4a: {  	_ =	shalt  }
0x4b: {  	_ =	shalt  }
0x4c: {  	_ =	shalt  }
0x4d: {  	_ =	shalt  }
0x4e: {  	_ =	shalt  }
0x4f: {  	_ =	shalt  }
0x50: {  	_ =	shalt  }
0x51: {  	_ =	shalt  }
0x52: {  	_ =	shalt  }
0x53: {  	_ =	shalt  }
0x54: {  	_ =	shalt  }
0x55: {  	_ =	shalt  }
0x56: {  	_ =	shalt  }
0x57: {  	_ =	shalt  }
0x58: {  	_ =	shalt  }
0x59: {  	_ =	shalt  }
0x5a: {  	_ =	shalt  }
0x5b: {  	_ =	shalt  }
0x5c: {  	_ =	shalt  }
0x5d: {  	_ =	shalt  }
0x5e: {  	_ =	shalt  }
0x5f: {  	_ =	shalt  }
0x60: {  	_ =	shalt  }
0x61: {  	_ =	shalt  }
0x62: {  	_ =	shalt  }
0x63: {  	_ =	shalt  }
0x64: {  	_ =	shalt  }
0x65: {  	_ =	shalt  }
0x66: {  	_ =	shalt  }
0x67: {  	_ =	shalt  }
0x68: {  	_ =	shalt  }
0x69: {  	_ =	shalt  }
0x6a: {  	_ =	shalt  }
0x6b: {  	_ =	shalt  }
0x6c: {  	_ =	shalt  }
0x6d: {  	_ =	shalt  }
0x6e: {  	_ =	shalt  }
0x6f: {  	_ =	shalt  }
0x70: {  	_ =	shalt  }
0x71: {  	_ =	shalt  }
0x72: {  	_ =	shalt  }
0x73: {  	_ =	shalt  }
0x74: {  	_ =	shalt  }
0x75: {  	_ =	shalt  }
0x76: {  	_ =	shalt  }
0x77: {  	_ =	shalt  }
0x78: {  	_ =	shalt  }
0x79: {  	_ =	shalt  }
0x7a: {  	_ =	shalt  }
0x7b: {  	_ =	shalt  }
0x7c: {  	_ =	shalt  }
0x7d: {  	_ =	shalt  }
0x7e: {  	_ =	shalt  }
0x7f: {  	_ =	shalt  }
0x80: {  	_ =	shalt  }
0x81: {  	_ =	shalt  }
0x82: {  	_ =	shalt  }
0x83: {  	_ =	shalt  }
0x84: {  	_ =	shalt  }
0x85: {  	_ =	shalt  }
0x86: {  	_ =	shalt  }
0x87: {  	_ =	shalt  }
.Lfunc_end0:
.L_simem_size_0:
called_computation_lowered:
.L_overlay_start_0:
0x88: {  	s2 =	sld [smem:$0x3FD9]  }
0x89: {  	s3 =	sld [smem:$0x3FFE];
	_ =	sdelay $0x1  }
0x8a: {  	s1 =	srdreg.scid  }
0x8b: {  	s0 =	sand.u32 $0x1, s1  }
0x8c: {  	s15 =	sshll.u32 s0, $0xA;
	s2 =	sadd.s32 s3, s2  }
0x8d: {  	s2 =	sadd.s32 s2, s15  }
0x8e: {  	[smem:$0x3FC2] =	sst s2  }
0x8f: {  	_ = 	snop  }
0x90: {  	s2 =	sld [smem:$0x3FD0];
	_ =	sdelay $0x1  }
0x91: {  	s16 =	sld [smem:$0x3FC7]  }
0x92: {  	s5 =	simm.s32 $0xA;
	s6 =	simm.s32 $0x10;
	s4 =	sld [smem:$0x3FC6]  }
0x93: {  	[smem:s6], [sflag:s5] =	dma.local [hbm:s2], $0x1  }
0x94: {  	_ =	swait.eq [sflag:s5], $0x1  }
0x95: {  	[sflag:s5] =	ssyncset.done $0x0  }
0x96: {  	s17 =	sld [smem:$0x10];
	[sflag:s5] =	ssyncadd.s32 $0xFFFFFFFF  }
0x97: {  	s18 =	sld [smem:$0x11];
	(tm) =	ssettm $0x1  }
0x98: {  	s19 =	sld [smem:$0x3FFB];
	_ =	sdelay $0x3  }
0x99: {  	_ =	strace s19  }
0x9a: {  	s6 =	sld [smem:$0x3FFC];
	_ =	sdelay $0x3  }
0x9b: {  	_ =	strace s6  }
0x9c: {  	s6 =	sld [smem:$0x3FFD];
	_ =	sdelay $0x3  }
0x9d: {  	_ =	strace s6  }
0x9e: {  	_ =	strace $0x8FFFFFFF  }
0x9f: {  	s20 =	sld [smem:$0x3FDB];
	_ =	sdelay $0x1  }
0xa0: {  	s7 =	simm.s32 $_scs_section_size  }
0xa1: {  	s8 =	simm.s32 $_size__tile_overlayer_lowered;
	s9 =	simm.s32 $_tile_overlayer_lowered  }
0xa2: {  	s23 =	simm.s32 $0x1BFF;
	s22 =	sshll.u32 s9, $0x1;
	s6 =	sadd.s32 s7, s20  }
0xa3: {  	s10 =	simm.s32 $0x0;
	s21 =	sshll.u32 s8, $0x1;
	s8 =	sadd.s32 s22, s6  }
0xa4: {  	[timem:s10], [sflag:s23] =	dma.local [hbm:s8], s21  }
0xa5: {  	_ =	swait.ge [sflag:s23], s21  }
0xa6: {  	s7 =	ssub.s32 $0x0, s21;
	[sflag:s23] =	ssyncset.done $0x0  }
0xa7: {  	[sflag:s23] =	ssyncadd.s32 s7;
	_ =	sdelay $0x1  }
0xa8: {  	s24 =	simm.s32 $0x1B8B  }
0xa9: {  	_ =	swait.ge [sflag:s24], $0x1  }
0xaa: {  	[sflag:s24] =	ssyncset.done $0x0  }
0xab: {  	s25 =	simm.s32 $0x1B8E;
	[sflag:s24] =	ssyncadd.s32 $0xFFFFFFFF  }
0xac: {  	s26 =	simm.s32 $execute0_lowered;
	[smem:$0x3FD2] =	sst s25  }
0xad: {  	s7 =	sshll.u32 s26, $0x1;
	_ =	strace $0x80000046;
	[dreg:$0x1] =	wrdreg $0xFFFFFFFF  }
0xae: {  	s28 =	simm.s32 $_size_execute0_lowered;
	s6 =	sadd.s32 s6, s7;
	[dreg:$0x0] =	wrdreg $0x0  }
0xaf: {  	s7 =	sshll.u32 s28, $0x1;
	[dreg:$0x2] =	wrdreg s6  }
0xb0: {  	[dreg:$0x3] =	wrdreg s7  }
0xb1: {  	[dreg:$0x4] =	wrdreg $0xC0  }
0xb2: {  	_ =	task [dreg:s10], $0x5FFFF  }
0xb3: {  	[dreg:$0x1] =	wrdreg $0xFFFFFFFF  }
0xb4: {  	[dreg:$0x0] =	wrdreg $0x60  }
0xb5: {  	[dreg:$0x2] =	wrdreg s16  }
0xb6: {  	[dreg:$0x3] =	wrdreg s4  }
0xb7: {  	[dreg:$0x4] =	wrdreg s17  }
0xb8: {  	[dreg:$0x5] =	wrdreg s18  }
0xb9: {  	[dreg:$0x6] =	wrdreg $0x9  }
0xba: {  	_ =	task.clear_ibuf [dreg:s10], $0x7FFFF;
	_ =	strace $0x90000046  }
0xbb: {  	s29 =	simm.s32 $0x9;
	_ =	strace $0x80000048  }
0xbc: {  	_ =	swait.ge [sflag:s29], $0x1  }
0xbd: {  	[sflag:s29] =	ssyncadd.s32 $0xFFFFFFFF  }
0xbe: {  	_ =	strace $0x90000048  }
0xbf: {  	_ =	sfence  }
0xc0: {  	s30 =	sld [smem:$0x0];
	_ =	sdelay $0x2  }
0xc1: {  	s31 =	sshll.u32 s1, $0xD;
	s1 =	sshrl.u32 s1, $0x2  }
0xc2: {  	s3 =	sand.u32 $0x4000, s31;
	s1 =	sadd.s32 s1, s30  }
0xc3: {  	s0 =	sor.u32 s3, s0;
	s1 =	sshll.u32 s1, $0x11  }
0xc4: {  	s0 =	sor.u32 s1, s0  }
0xc5: {  	s0 =	sadd.s32 $0x8F2B, s0  }
0xc6: {  	[sflag:s0] =	ssyncadd.remote.s32 $0x1  }
0xc7: {  	_ =	sfence.sel $0xFFFF  }
0xc8: {  	[dreg:$0x0] =	wrdreg $0xFFFFFFFF;
	(pc) =	sbr.abs _section_cstart, $3  }
0xc9: {  	[dreg:$0x1] =	wrdreg $0xFFFFFFFF  }
0xca: {  	_ =	task.clear_ibuf [dreg:s10], $0x2FFFF;
	_ =	strace $0x9FFFFFFF  }
0xcb: {  	(tm) =	ssettm $0x7FFFFFFF  }
tec
execute0_lowered:
.L_overlay_start_1:
0x0: {  	(tag) =	ssettag $0x1  }
0x1: {  	s1 =	rddreg [dreg:$0x0]  }
0x2: {  	s2 =	rddreg [dreg:$0x1]  }
0x3: {  	s7 =	rddreg [dreg:$0x2]  }
0x4: {  	s6 =	rddreg [dreg:$0x3]  }
0x5: {  	s0 =	rddreg [dreg:$0x4];
	s4 =	srdreg.scid  }
0x6: {  	s5 =	simm.s32 $0x0;
	s3 =	stileid.u32;
	s4 =	sand.u32 $0x1, s4  }
0x7: {  	[smem:$0x7FF] =	sst s5;
	s8 =	sshll.u32 s3, $0x1;
	s5 =	sadd.s32 $0x100, s1  }
0x8: {  	s31 =	sand.u32 $0xE, s3;
	p0 =	sgt.u32 s3, $0x1;
	s30 =	ssub.s32 $0x2, s4  }
0x9: {  	_ =	strace $0x80000047;
	s8 =	sor.u32 s4, s8;
	p1 =	sne.s32 s31, $0x2  }
0xa: {  	s9 =	sshrl.u32 s30, $0x1;
	s4 =	sadd.s32 s7, s8;
	s10 =	sshll.u32 s8, $0x9  }
0xb: {  	s8 =	sand.u32 $0x3, s8;
	s9 =	ssub.s32 s30, s9;
	s6 =	sadd.s32 s6, s10  }
0xc: {  	vm0 =	vmmov @!p0 $0xffff;
	vm1 =	vmmov @!p1 $0xffff;
	s7 =	sadd.s32 s7, s8;
	s8 =	sadd.s32 $0x100, s2;
	s9 =	smax.u32 s9, $0x1  }
.LBB2_1:
0xd: {  	s10 =	simm.s32 @!p0 $0x0;
	s11 =	simm.s32 @!p0 $0x2  }
0xe: {  	[tilespmem:s10], [sflag:$0x2] =	stream.linear.gather @!p0 [hbm4b:s4+s10], $0x8, $0x38;
	[tilespmem:$0x1080] =	vst v63  }
0xf: {  	_ =	swait.ge @!p0 [sflag:s11], $0x8  }
0x10: {  	[sflag:s11] =	ssyncset.done @!p0 $0x0  }
0x11: {  	[sflag:s11] =	ssyncadd.s32 @!p0 $0xFFFFFFF8  }
0x12: {  	v0 =	vld.msk @!p0 [tilespmem:$0x0], $0xff;
	_ =	sdelay $0x4  }
0x13: {  	v1 =	vshll.u32 @!p0 v0, $0x2  }
0x14: {  	v2 =	vlaneseq.u32 @!p0;
	v0 =	vand.u32 @!p0 $0x7, v0;
	v1 =	vand.u32 @!p0 $0xFFFFFFE0, v1  }
0x15: {  	v0 =	vor.u32 @!p0 v0, v1;
	v1 =	vand.u32 @!p0 $0x7, v2;
	v2 =	vshrl.u32 @!p0 v2, $0x3  }
0x16: {  	v0 =	vperm.xlane @!p0 v0, v1;
	v1 =	vmul.u32 @!p0 $0x8, v2;
	_ =	sdelay $0x1  }
0x17: {  	v0 =	vadd.s32 @!p0 v1, v0;
	_ =	sdelay $0x3  }
0x18: {  	s12 =	simm.s32 @!p0 $0x80  }
0x19: {  	[tilespmem:s12], [sflag:$0x1] =	stream.indirect_vreg.gather @!p0 [hbm4b:s1+s10], $0x80, v0, vm0, $0xb8;
	[tilespmem:$0x1080] =	vst v63  }
0x1a: {  	s13 =	simm.s32 @!p0 $0x880  }
0x1b: {  	[tilespmem:s13], [sflag:$0x1] =	stream.indirect_vreg.gather @!p0 [hbm4b:s5+s10], $0x80, v0, vm0, $0xb8;
	[tilespmem:$0x1080] =	vst v63  }
0x1c: {  	s13 =	simm.s32 @!p0 $0x1  }
0x1d: {  	_ =	swait.ge @!p0 [sflag:s13], $0x1000  }
0x1e: {  	[sflag:s13] =	ssyncset.done @!p0 $0x0  }
0x1f: {  	[sflag:s13] =	ssyncadd.s32 @!p0 $0xFFFFF000  }
0x20: {  	[hbm4b:s6+s10] =	stream.linear.scatter @!p0 [tilespmem:s12], [sflag:$0x2], $0x1000, $0x38;
	[tilespmem:$0x1080] =	vst v63  }
0x21: {  	_ =	swait.ge @!p0 [sflag:s11], $0x1000  }
0x22: {  	[sflag:s11] =	ssyncset.done @!p0 $0x0  }
0x23: {  	s10 =	simm.s32 @!p1 $0x0;
	[sflag:s11] =	ssyncadd.s32 @!p0 $0xFFFFF000;
	s11 =	simm.s32 @!p1 $0x2  }
0x24: {  	[tilespmem:s10], [sflag:$0x2] =	stream.linear.gather @!p1 [hbm4b:s7+s10], $0x8, $0x38;
	[tilespmem:$0x1080] =	vst v63  }
0x25: {  	_ =	swait.ge @!p1 [sflag:s11], $0x8  }
0x26: {  	[sflag:s11] =	ssyncset.done @!p1 $0x0  }
0x27: {  	[sflag:s11] =	ssyncadd.s32 @!p1 $0xFFFFFFF8  }
0x28: {  	v0 =	vld.msk @!p1 [tilespmem:$0x0], $0xff;
	_ =	sdelay $0x4  }
0x29: {  	v1 =	vshll.u32 @!p1 v0, $0x2  }
0x2a: {  	v2 =	vlaneseq.u32 @!p1;
	v0 =	vand.u32 @!p1 $0x7, v0;
	v1 =	vand.u32 @!p1 $0xFFFFFFE0, v1  }
0x2b: {  	v0 =	vor.u32 @!p1 v0, v1;
	v1 =	vand.u32 @!p1 $0x7, v2;
	v2 =	vshrl.u32 @!p1 v2, $0x3  }
0x2c: {  	v0 =	vperm.xlane @!p1 v0, v1;
	v1 =	vmul.u32 @!p1 $0x8, v2;
	_ =	sdelay $0x1  }
0x2d: {  	v0 =	vadd.s32 @!p1 v1, v0;
	_ =	sdelay $0x3  }
0x2e: {  	s12 =	simm.s32 @!p1 $0x80  }
0x2f: {  	[tilespmem:s12], [sflag:$0x1] =	stream.indirect_vreg.gather @!p1 [hbm4b:s2+s10], $0x80, v0, vm1, $0xb8;
	[tilespmem:$0x1080] =	vst v63  }
0x30: {  	s13 =	simm.s32 @!p1 $0x880  }
0x31: {  	[tilespmem:s13], [sflag:$0x1] =	stream.indirect_vreg.gather @!p1 [hbm4b:s8+s10], $0x80, v0, vm1, $0xb8;
	[tilespmem:$0x1080] =	vst v63  }
0x32: {  	s13 =	simm.s32 @!p1 $0x1  }
0x33: {  	s9 =	sadd.s32 $0xFFFFFFFF, s9;
	_ =	swait.ge @!p1 [sflag:s13], $0x1000  }
0x34: {  	p2 =	sne.s32 s9, $0x0;
	[sflag:s13] =	ssyncset.done @!p1 $0x0  }
.Ltmp0:
0x35: {  	[sflag:s13] =	ssyncadd.s32 @!p1 $0xFFFFF000;
	(pc) =	sbr.rel @p2 .LBB2_1-.Ltmp0, $4  }
0x36: {  	[hbm4b:s6+s10] =	stream.linear.scatter @!p1 [tilespmem:s12], [sflag:$0x2], $0x1000, $0x38;
	[tilespmem:$0x1080] =	vst v63  }
0x37: {  	_ =	swait.ge @!p1 [sflag:s11], $0x1000  }
0x38: {  	[sflag:s11] =	ssyncset.done @!p1 $0x0  }
0x39: {  	[sflag:s11] =	ssyncadd.s32 @!p1 $0xFFFFF000  }
0x3a: {  	_ =	sfence.sel $0x180000  }
0x3b: {  	[bflag:$0x0] =	sbarrier.arrive $0xFFFF  }
0x3c: {  	p0 =	sne.s32 s3, $0x0;
	_ =	strace $0x90000047  }
0x3d: {  	s0 =	sadd.s32 @!p0 $0x100000, s0;
	[bflag:$0x2] =	sbarrier.arrive $0xFFFF  }
0x3e: {  	[sflag:s0] =	ssyncadd.tile.s32 @!p0 $0x1;
	_ =	shalt  }
.Lfunc_end2:
_tile_overlayer_lowered:
.L_overlay_start_2:
0x3f: {  	(tag) =	ssettag $0x2  }
0x40: {  	s0 =	rddreg [dreg:$0x0];
	s2 =	stileid.u32  }
0x41: {  	s1 =	rddreg [dreg:$0x1];
	p0 =	sne.s32 s2, $0x0  }
0x42: {  	s3 =	rddreg [dreg:$0x2];
	[bflag:$0x3] =	sbarrier.arrive $0xFFFF;
	s2 =	simm.s32 @!p0 $0x1C02  }
0x43: {  	[timem:s3], [sflag:s2] =	dma.local @!p0 [hbm:s0], s1  }
0x44: {  	s0 =	simm.s32 @!p0 $0x2  }
0x45: {  	_ =	swait.ge @!p0 [sflag:s0], s1  }
0x46: {  	s1 =	ssub.s32 @!p0 $0x0, s1;
	[sflag:s0] =	ssyncset.done @!p0 $0x0  }
0x47: {  	[sflag:s0] =	ssyncadd.s32 @!p0 s1  }
0x48: {  	[bflag:$0x3] =	sbarrier.arrive $0xFFFF  }
0x49: {  	_ =	shalt  }

</sc_bundles>
